<compile_context>
chip_gen: v7x
topology: tpu7x:2x2x1
jax: 0.10.2.dev20260603
libtpu: 0.0.44.dev20260713+nightly
codegen_flags: <defaults>
</compile_context>

<pallas_src>
import functools

import jax
import jax.numpy as jnp
from jax import lax
from jax.experimental import pallas as pl
from jax.experimental.pallas import tpu as pltpu
from jax.experimental.pallas import tpu_sc as plsc

E = 64
D = 768
H = 1536
TOK = 4096

GB = 512
G1 = TOK // GB

B = 128
NB = TOK // B + E
PAD_N = NB * B

NC = 2
NS = 16
NW = NC * NS
CH = TOK // NW

_INV_SQRT2 = 0.7071067811865476


def _gate_body(x_ref, gw_ref, gb_ref, dst_ref, be_ref, nblk_ref,
               acc, m_scr, rank_scr, tril_scr):
    g = pl.program_id(0)

    @pl.when(g == 0)
    def _():
        acc[...] = jnp.zeros_like(acc)
        row = lax.broadcasted_iota(jnp.int32, (GB, GB), 0)
        col = lax.broadcasted_iota(jnp.int32, (GB, GB), 1)
        tril_scr[...] = (col < row).astype(jnp.float32)

    @pl.when(g < G1)
    def _():
        logits = lax.dot_general(x_ref[...], gw_ref[...],
                                 (((1,), (1,)), ((), ())),
                                 preferred_element_type=jnp.float32)
        logits = logits + gb_ref[...]
        mx = jnp.max(logits, axis=1, keepdims=True)
        lane = lax.broadcasted_iota(jnp.int32, (GB, E), 1)
        ids = jnp.min(jnp.where(logits == mx, lane, E), axis=1)
        onehot = (lane == ids[:, None]).astype(jnp.float32)
        prev = lax.dot_general(tril_scr[...], onehot, (((1,), (0,)), ((), ())),
                               preferred_element_type=jnp.float32)
        rank = jnp.sum(onehot * (prev + acc[...]), axis=1)
        m_scr[pl.ds(g * GB, GB), :] = onehot
        rank_scr[pl.ds(g, 1), :] = rank.reshape(1, GB)
        acc[...] = acc[...] + jnp.sum(onehot, axis=0, keepdims=True)

    @pl.when(g == G1)
    def _():
        counts = acc[...]
        blocks = jnp.floor((counts + (B - 1)) * (1.0 / B))
        r64 = lax.broadcasted_iota(jnp.int32, (E, E), 0)
        c64 = lax.broadcasted_iota(jnp.int32, (E, E), 1)
        triu = (r64 <= c64).astype(jnp.float32)
        cum = lax.dot_general(blocks, triu, (((1,), (0,)), ((), ())),
                              preferred_element_type=jnp.float32)
        nb = jnp.sum(blocks, axis=1, keepdims=True)
        nblk_ref[...] = nb.astype(jnp.int32)
        gi = lax.broadcasted_iota(jnp.int32, (NB, E), 0).astype(jnp.float32)
        geff = jnp.minimum(gi, jnp.broadcast_to(nb, (NB, E)) - 1.0)
        be = jnp.sum((jnp.broadcast_to(cum, (NB, E)) <= geff)
                     .astype(jnp.float32), axis=1)
        be_ref[...] = be.astype(jnp.int32).reshape(1, NB)
        poff = (cum - blocks) * B
        for blk in range(G1):
            mb = m_scr[pl.ds(blk * GB, GB), :]
            off_row = lax.dot_general(poff, mb, (((1,), (1,)), ((), ())),
                                      preferred_element_type=jnp.float32)
            dstb = off_row + rank_scr[pl.ds(blk, 1), :]
            dst_ref[:, pl.ds(blk * GB, GB)] = dstb.astype(jnp.int32)


def _gating(x_flat, gate_W, gate_b):
    dst2, be2, nblk2 = pl.pallas_call(
        _gate_body,
        grid=(G1 + 1,),
        in_specs=[
            pl.BlockSpec((GB, D), lambda g: (jnp.minimum(g, G1 - 1), 0)),
            pl.BlockSpec((E, D), lambda g: (0, 0)),
            pl.BlockSpec((1, E), lambda g: (0, 0)),
        ],
        out_specs=[
            pl.BlockSpec((1, TOK), lambda g: (0, 0)),
            pl.BlockSpec((1, NB), lambda g: (0, 0)),
            pl.BlockSpec((1, 1), lambda g: (0, 0)),
        ],
        out_shape=[
            jax.ShapeDtypeStruct((1, TOK), jnp.int32),
            jax.ShapeDtypeStruct((1, NB), jnp.int32),
            jax.ShapeDtypeStruct((1, 1), jnp.int32),
        ],
        scratch_shapes=[
            pltpu.VMEM((1, E), jnp.float32),
            pltpu.VMEM((TOK, E), jnp.float32),
            pltpu.VMEM((G1, GB), jnp.float32),
            pltpu.VMEM((GB, GB), jnp.float32),
        ],
        compiler_params=pltpu.CompilerParams(
            dimension_semantics=("arbitrary",)),
    )(x_flat, gate_W, gate_b.reshape(1, E))
    return dst2.reshape(TOK), be2.reshape(NB), nblk2.reshape(1)


def _mlp_body(nblk_ref, be_ref, x_ref, w1_ref, b1_ref, w2_ref, b2_ref, y_ref):
    g = pl.program_id(0)

    @pl.when(g < nblk_ref[0])
    def _():
        h = lax.dot_general(x_ref[...].astype(jnp.bfloat16),
                            w1_ref[0].astype(jnp.bfloat16),
                            (((1,), (1,)), ((), ())),
                            preferred_element_type=jnp.float32)
        h = h + b1_ref[0]
        h = 0.5 * h * (1.0 + lax.erf(h * _INV_SQRT2))
        y = lax.dot_general(h.astype(jnp.bfloat16),
                            w2_ref[0].astype(jnp.bfloat16),
                            (((1,), (1,)), ((), ())),
                            preferred_element_type=jnp.float32)
        y_ref[...] = y + b2_ref[0]


def _grouped_mlp(nblk, be, x_pad, W1, b1, W2, b2):
    spec = pltpu.PrefetchScalarGridSpec(
        num_scalar_prefetch=2,
        grid=(NB,),
        in_specs=[
            pl.BlockSpec((B, D), lambda g, n, b: (jnp.minimum(g, n[0] - 1), 0)),
            pl.BlockSpec((1, H, D), lambda g, n, b: (b[g], 0, 0)),
            pl.BlockSpec((1, 1, H), lambda g, n, b: (b[g], 0, 0)),
            pl.BlockSpec((1, D, H), lambda g, n, b: (b[g], 0, 0)),
            pl.BlockSpec((1, 1, D), lambda g, n, b: (b[g], 0, 0)),
        ],
        out_specs=pl.BlockSpec((B, D), lambda g, n, b: (jnp.minimum(g, n[0] - 1), 0)),
    )
    return pl.pallas_call(
        _mlp_body,
        grid_spec=spec,
        out_shape=jax.ShapeDtypeStruct((PAD_N, D), jnp.float32),
        compiler_params=pltpu.CompilerParams(
            dimension_semantics=("arbitrary",)),
    )(nblk, be, x_pad, W1, b1.reshape(E, 1, H), W2, b2.reshape(E, 1, D))


def _sc_mesh():
    return plsc.VectorSubcoreMesh(core_axis_name="c", subcore_axis_name="s")


def _make_sc_scatter():

    sub = CH // 2

    @functools.partial(
        pl.kernel,
        mesh=_sc_mesh(),
        out_type=jax.ShapeDtypeStruct((PAD_N, D), jnp.float32),
        scratch_types=[
            pltpu.VMEM((sub,), jnp.int32),
            pltpu.VMEM((sub,), jnp.int32),
            pltpu.VMEM((sub, D), jnp.float32),
            pltpu.VMEM((sub, D), jnp.float32),
            pltpu.SemaphoreType.DMA,
            pltpu.SemaphoreType.DMA,
        ],
    )
    def scatter_k(dst_hbm, x_hbm, xpad_hbm, dst_a, dst_b, rows_a, rows_b,
                  sem_a, sem_b):
        wid = lax.axis_index("s") * NC + lax.axis_index("c")
        base = wid * CH
        pltpu.sync_copy(dst_hbm.at[pl.ds(base, sub)], dst_a)
        pltpu.sync_copy(x_hbm.at[pl.ds(base, sub)], rows_a)
        cp_a = pltpu.async_copy(rows_a, xpad_hbm.at[dst_a], sem_a)
        pltpu.sync_copy(dst_hbm.at[pl.ds(base + sub, sub)], dst_b)
        pltpu.sync_copy(x_hbm.at[pl.ds(base + sub, sub)], rows_b)
        cp_b = pltpu.async_copy(rows_b, xpad_hbm.at[dst_b], sem_b)
        cp_a.wait()
        cp_b.wait()

    return scatter_k


def _make_sc_gather():

    sub = CH // 2

    @functools.partial(
        pl.kernel,
        mesh=_sc_mesh(),
        out_type=jax.ShapeDtypeStruct((TOK, D), jnp.float32),
        scratch_types=[
            pltpu.VMEM((sub,), jnp.int32),
            pltpu.VMEM((sub,), jnp.int32),
            pltpu.VMEM((sub, D), jnp.float32),
            pltpu.VMEM((sub, D), jnp.float32),
            pltpu.SemaphoreType.DMA,
            pltpu.SemaphoreType.DMA,
        ],
    )
    def gather_k(idx_hbm, table_hbm, out_hbm, idx_a, idx_b, rows_a, rows_b,
                 sem_a, sem_b):
        wid = lax.axis_index("s") * NC + lax.axis_index("c")
        base = wid * CH
        pltpu.sync_copy(idx_hbm.at[pl.ds(base, sub)], idx_a)
        pltpu.sync_copy(idx_hbm.at[pl.ds(base + sub, sub)], idx_b)
        cp_a = pltpu.async_copy(table_hbm.at[idx_a], rows_a, sem_a)
        cp_b = pltpu.async_copy(table_hbm.at[idx_b], rows_b, sem_b)
        cp_a.wait()
        pltpu.sync_copy(rows_a, out_hbm.at[pl.ds(base, sub)])
        cp_b.wait()
        pltpu.sync_copy(rows_b, out_hbm.at[pl.ds(base + sub, sub)])

    return gather_k


def kernel(x, gate_W, gate_b, W1, b1, W2, b2):
    x_flat = x.reshape(TOK, D)
    dst, be, nblk = _gating(x_flat, gate_W, gate_b)
    x_pad = _make_sc_scatter()(dst, x_flat)
    y_pad = _grouped_mlp(nblk, be, x_pad, W1, b1, W2, b2)
    out = _make_sc_gather()(dst, y_pad)
    return out.reshape(x.shape)

# --- scband reference (transcript-rebuilt; emitter-appended) ---
"""Pipeline reference for scband-mo-elayer-89910845374649 (READ-ONLY COPY).

The authoritative reference and input builder live on the scoring server;
editing this copy changes nothing except your own understanding.
"""

import jax, jax.numpy as jnp
import numpy as np

E = 64
D = 768
H = 1536
TOPK = 1
BATCH = 2
SEQ = 2048


def setup_inputs(seed: int = 0) -> dict:
    key = jax.random.key(seed)
    ks = jax.random.split(key, 6)
    x = jax.random.normal(ks[0], (BATCH, SEQ, D), dtype=jnp.float32)
    gate_W = jax.random.normal(ks[1], (E, D), dtype=jnp.float32) * 0.02
    gate_b = jnp.zeros((E,), dtype=jnp.float32)
    W1 = jax.random.normal(ks[2], (E, H, D), dtype=jnp.float32) * 0.02
    b1 = jnp.zeros((E, H), dtype=jnp.float32)
    W2 = jax.random.normal(ks[3], (E, D, H), dtype=jnp.float32) * 0.02
    b2 = jnp.zeros((E, D), dtype=jnp.float32)
    return {"x": x, "gate_W": gate_W, "gate_b": gate_b, "W1": W1, "b1": b1, "W2": W2, "b2": b2}


def reference(x, gate_W, gate_b, W1, b1, W2, b2):
    original_shape = x.shape
    x_flat = x.reshape(-1, D)
    gate_logits = x_flat @ gate_W.T + gate_b
    gate_scores = jax.nn.softmax(gate_logits, axis=-1)
    # top_k == 1 path: max over experts (torch.max), then normalize (w/w == 1)
    top_k_indices = jnp.argmax(gate_scores, axis=-1)[:, None]
    top_k_weights = jnp.take_along_axis(gate_scores, top_k_indices, axis=-1)
    top_k_weights = top_k_weights / jnp.sum(top_k_weights, axis=-1, keepdims=True)
    output = jnp.zeros_like(x_flat)
    idx = top_k_indices[:, 0]
    for i in range(TOPK):
        def body(exp_idx, out):
            h = jax.nn.gelu(x_flat @ W1[exp_idx].T + b1[exp_idx], approximate=False)
            expert_output = h @ W2[exp_idx].T + b2[exp_idx]
            mask = (idx == exp_idx)[:, None]
            contrib = expert_output * top_k_weights[:, i:i + 1]
            return out + jnp.where(mask, contrib, jnp.zeros_like(contrib))
        output = jax.lax.fori_loop(0, E, body, output)
    return output.reshape(original_shape)

if __name__ == "__main__":
    import jax
    _d = setup_inputs()
    print(jax.jit(kernel)(*tuple(_d.values())))

</pallas_src>

<mosaic_0001>
#map = affine_map<(d0, d1) -> (0)>
#map1 = affine_map<(d0, d1) -> (0, 0)>
module attributes {stable_mosaic.version = 14 : i64} {
  func.func @gather_k(%arg0: i32, %arg1: i32, %arg2: memref<4096xi32, #tpu.memory_space<hbm>>, %arg3: memref<12288x768xf32, #tpu.memory_space<hbm>>, %arg4: memref<4096x768xf32, #tpu.memory_space<hbm>>, %arg5: memref<64xi32, #tpu.memory_space<vmem>>, %arg6: memref<64xi32, #tpu.memory_space<vmem>>, %arg7: memref<64x768xf32, #tpu.memory_space<vmem>>, %arg8: memref<64x768xf32, #tpu.memory_space<vmem>>, %arg9: memref<!tpu.dma_semaphore, #tpu.memory_space<semaphore_mem>>, %arg10: memref<!tpu.dma_semaphore, #tpu.memory_space<semaphore_mem>>) attributes {dimension_semantics = [#tpu.dimension_semantics<core_parallel>, #tpu.dimension_semantics<subcore_parallel>], iteration_bounds = array<i64: 2, 16>, scalar_prefetch = 0 : i64, scratch_operands = 6 : i64, tpu.core_type = #tpu.core_type<sc_vector_subcore>, window_params = [{transform_indices = #map}, {transform_indices = #map1}, {transform_indices = #map1}]} {
    %mul3A = arith.constant 2 : i32
    %mul3A_0 = arith.muli %arg1, %mul3A : i32
    %add3A = arith.addi %mul3A_0, %arg0 : i32
    %mul3A_1 = arith.constant 128 : i32
    %mul3A_2 = arith.muli %add3A, %mul3A_1 : i32
    "tpu.region"() ({
      %run_scoped3A = tpu.sem_alloc : memref<!tpu.dma_semaphore, #tpu.memory_space<semaphore_mem>>
      %dma_start3A_17 = tpu.memref_slice %arg2[%mul3A_2] : memref<4096xi32, #tpu.memory_space<hbm>> -> memref<64xi32, #tpu.memory_space<hbm>>
      %dma_start3A_18 = tpu.memref_slice %arg2[%mul3A_2] : memref<4096xi32, #tpu.memory_space<hbm>> -> memref<64xi32, #tpu.memory_space<hbm>>
      tpu.enqueue_dma source(%dma_start3A_18 : memref<64xi32, #tpu.memory_space<hbm>>) target(%arg5 : memref<64xi32, #tpu.memory_space<vmem>>) target_semaphore(%run_scoped3A : memref<!tpu.dma_semaphore, #tpu.memory_space<semaphore_mem>>)
      %dma_wait3A_19 = tpu.memref_slice %arg2[%mul3A_2] : memref<4096xi32, #tpu.memory_space<hbm>> -> memref<64xi32, #tpu.memory_space<hbm>>
      %dma_wait3A_20 = tpu.memref_slice %arg2[%mul3A_2] : memref<4096xi32, #tpu.memory_space<hbm>> -> memref<64xi32, #tpu.memory_space<hbm>>
      tpu.wait_dma2 semaphore(%run_scoped3A : memref<!tpu.dma_semaphore, #tpu.memory_space<semaphore_mem>>) src(%dma_wait3A_20 : memref<64xi32, #tpu.memory_space<hbm>>) dst(%arg5 : memref<64xi32, #tpu.memory_space<vmem>>)
      tpu.yield
    }) : () -> ()
    %add3A_3 = arith.constant 64 : i32
    %add3A_4 = arith.addi %mul3A_2, %add3A_3 : i32
    "tpu.region"() ({
      %run_scoped3A = tpu.sem_alloc : memref<!tpu.dma_semaphore, #tpu.memory_space<semaphore_mem>>
      %dma_start3A_17 = tpu.memref_slice %arg2[%add3A_4] : memref<4096xi32, #tpu.memory_space<hbm>> -> memref<64xi32, #tpu.memory_space<hbm>>
      %dma_start3A_18 = tpu.memref_slice %arg2[%add3A_4] : memref<4096xi32, #tpu.memory_space<hbm>> -> memref<64xi32, #tpu.memory_space<hbm>>
      tpu.enqueue_dma source(%dma_start3A_18 : memref<64xi32, #tpu.memory_space<hbm>>) target(%arg6 : memref<64xi32, #tpu.memory_space<vmem>>) target_semaphore(%run_scoped3A : memref<!tpu.dma_semaphore, #tpu.memory_space<semaphore_mem>>)
      %dma_wait3A_19 = tpu.memref_slice %arg2[%add3A_4] : memref<4096xi32, #tpu.memory_space<hbm>> -> memref<64xi32, #tpu.memory_space<hbm>>
      %dma_wait3A_20 = tpu.memref_slice %arg2[%add3A_4] : memref<4096xi32, #tpu.memory_space<hbm>> -> memref<64xi32, #tpu.memory_space<hbm>>
      tpu.wait_dma2 semaphore(%run_scoped3A : memref<!tpu.dma_semaphore, #tpu.memory_space<semaphore_mem>>) src(%dma_wait3A_20 : memref<64xi32, #tpu.memory_space<hbm>>) dst(%arg6 : memref<64xi32, #tpu.memory_space<vmem>>)
      tpu.yield
    }) : () -> ()
    %dma_start3A = arith.constant 0 : i32
    %dma_start3A_5 = arith.constant 0 : i32
    %dma_start3A_6 = tpu.memref_slice %arg3[%dma_start3A, %dma_start3A_5] : memref<12288x768xf32, #tpu.memory_space<hbm>> -> memref<12288x768xf32, #tpu.memory_space<hbm>>
    tpu.enqueue_indirect_dma source(%dma_start3A_6 : memref<12288x768xf32, #tpu.memory_space<hbm>>) target(%arg7 : memref<64x768xf32, #tpu.memory_space<vmem>>) offsets(%arg5 : memref<64xi32, #tpu.memory_space<vmem>>) semaphore(%arg9 : memref<!tpu.dma_semaphore, #tpu.memory_space<semaphore_mem>>)
    %dma_start3A_7 = arith.constant 0 : i32
    %dma_start3A_8 = arith.constant 0 : i32
    %dma_start3A_9 = tpu.memref_slice %arg3[%dma_start3A_7, %dma_start3A_8] : memref<12288x768xf32, #tpu.memory_space<hbm>> -> memref<12288x768xf32, #tpu.memory_space<hbm>>
    tpu.enqueue_indirect_dma source(%dma_start3A_9 : memref<12288x768xf32, #tpu.memory_space<hbm>>) target(%arg8 : memref<64x768xf32, #tpu.memory_space<vmem>>) offsets(%arg6 : memref<64xi32, #tpu.memory_space<vmem>>) semaphore(%arg10 : memref<!tpu.dma_semaphore, #tpu.memory_space<semaphore_mem>>)
    %dma_wait3A = arith.constant 0 : i32
    %dma_wait3A_10 = arith.constant 0 : i32
    %dma_wait3A_11 = tpu.memref_slice %arg3[%dma_wait3A, %dma_wait3A_10] : memref<12288x768xf32, #tpu.memory_space<hbm>> -> memref<12288x768xf32, #tpu.memory_space<hbm>>
    tpu.wait_indirect_dma semaphore(%arg9 : memref<!tpu.dma_semaphore, #tpu.memory_space<semaphore_mem>>) src(%dma_wait3A_11 : memref<12288x768xf32, #tpu.memory_space<hbm>>) dst(%arg7 : memref<64x768xf32, #tpu.memory_space<vmem>>)
    "tpu.region"() ({
      %run_scoped3A = tpu.sem_alloc : memref<!tpu.dma_semaphore, #tpu.memory_space<semaphore_mem>>
      %dma_start3A_17 = arith.constant 0 : i32
      %dma_start3A_18 = tpu.memref_slice %arg4[%mul3A_2, %dma_start3A_17] : memref<4096x768xf32, #tpu.memory_space<hbm>> -> memref<64x768xf32, #tpu.memory_space<hbm>>
      %dma_start3A_19 = arith.constant 0 : i32
      %dma_start3A_20 = tpu.memref_slice %arg4[%mul3A_2, %dma_start3A_19] : memref<4096x768xf32, #tpu.memory_space<hbm>> -> memref<64x768xf32, #tpu.memory_space<hbm>>
      tpu.enqueue_dma source(%arg7 : memref<64x768xf32, #tpu.memory_space<vmem>>) target(%dma_start3A_20 : memref<64x768xf32, #tpu.memory_space<hbm>>) target_semaphore(%run_scoped3A : memref<!tpu.dma_semaphore, #tpu.memory_space<semaphore_mem>>)
      %dma_wait3A_21 = arith.constant 0 : i32
      %dma_wait3A_22 = tpu.memref_slice %arg4[%mul3A_2, %dma_wait3A_21] : memref<4096x768xf32, #tpu.memory_space<hbm>> -> memref<64x768xf32, #tpu.memory_space<hbm>>
      %dma_wait3A_23 = arith.constant 0 : i32
      %dma_wait3A_24 = tpu.memref_slice %arg4[%mul3A_2, %dma_wait3A_23] : memref<4096x768xf32, #tpu.memory_space<hbm>> -> memref<64x768xf32, #tpu.memory_space<hbm>>
      tpu.wait_dma2 semaphore(%run_scoped3A : memref<!tpu.dma_semaphore, #tpu.memory_space<semaphore_mem>>) src(%arg7 : memref<64x768xf32, #tpu.memory_space<vmem>>) dst(%dma_wait3A_24 : memref<64x768xf32, #tpu.memory_space<hbm>>)
      tpu.yield
    }) : () -> ()
    %dma_wait3A_12 = arith.constant 0 : i32
    %dma_wait3A_13 = arith.constant 0 : i32
    %dma_wait3A_14 = tpu.memref_slice %arg3[%dma_wait3A_12, %dma_wait3A_13] : memref<12288x768xf32, #tpu.memory_space<hbm>> -> memref<12288x768xf32, #tpu.memory_space<hbm>>
    tpu.wait_indirect_dma semaphore(%arg10 : memref<!tpu.dma_semaphore, #tpu.memory_space<semaphore_mem>>) src(%dma_wait3A_14 : memref<12288x768xf32, #tpu.memory_space<hbm>>) dst(%arg8 : memref<64x768xf32, #tpu.memory_space<vmem>>)
    %add3A_15 = arith.constant 64 : i32
    %add3A_16 = arith.addi %mul3A_2, %add3A_15 : i32
    "tpu.region"() ({
      %run_scoped3A = tpu.sem_alloc : memref<!tpu.dma_semaphore, #tpu.memory_space<semaphore_mem>>
      %dma_start3A_17 = arith.constant 0 : i32
      %dma_start3A_18 = tpu.memref_slice %arg4[%add3A_16, %dma_start3A_17] : memref<4096x768xf32, #tpu.memory_space<hbm>> -> memref<64x768xf32, #tpu.memory_space<hbm>>
      %dma_start3A_19 = arith.constant 0 : i32
      %dma_start3A_20 = tpu.memref_slice %arg4[%add3A_16, %dma_start3A_19] : memref<4096x768xf32, #tpu.memory_space<hbm>> -> memref<64x768xf32, #tpu.memory_space<hbm>>
      tpu.enqueue_dma source(%arg8 : memref<64x768xf32, #tpu.memory_space<vmem>>) target(%dma_start3A_20 : memref<64x768xf32, #tpu.memory_space<hbm>>) target_semaphore(%run_scoped3A : memref<!tpu.dma_semaphore, #tpu.memory_space<semaphore_mem>>)
      %dma_wait3A_21 = arith.constant 0 : i32
      %dma_wait3A_22 = tpu.memref_slice %arg4[%add3A_16, %dma_wait3A_21] : memref<4096x768xf32, #tpu.memory_space<hbm>> -> memref<64x768xf32, #tpu.memory_space<hbm>>
      %dma_wait3A_23 = arith.constant 0 : i32
      %dma_wait3A_24 = tpu.memref_slice %arg4[%add3A_16, %dma_wait3A_23] : memref<4096x768xf32, #tpu.memory_space<hbm>> -> memref<64x768xf32, #tpu.memory_space<hbm>>
      tpu.wait_dma2 semaphore(%run_scoped3A : memref<!tpu.dma_semaphore, #tpu.memory_space<semaphore_mem>>) src(%arg8 : memref<64x768xf32, #tpu.memory_space<vmem>>) dst(%dma_wait3A_24 : memref<64x768xf32, #tpu.memory_space<hbm>>)
      tpu.yield
    }) : () -> ()
    return
  }
}

#map = affine_map<(d0, d1) -> (0)>
#map1 = affine_map<(d0, d1) -> (0, 0)>
module attributes {stable_mosaic.version = 14 : i64} {
  func.func @scatter_k(%arg0: i32, %arg1: i32, %arg2: memref<4096xi32, #tpu.memory_space<hbm>>, %arg3: memref<4096x768xf32, #tpu.memory_space<hbm>>, %arg4: memref<12288x768xf32, #tpu.memory_space<hbm>>, %arg5: memref<64xi32, #tpu.memory_space<vmem>>, %arg6: memref<64xi32, #tpu.memory_space<vmem>>, %arg7: memref<64x768xf32, #tpu.memory_space<vmem>>, %arg8: memref<64x768xf32, #tpu.memory_space<vmem>>, %arg9: memref<!tpu.dma_semaphore, #tpu.memory_space<semaphore_mem>>, %arg10: memref<!tpu.dma_semaphore, #tpu.memory_space<semaphore_mem>>) attributes {dimension_semantics = [#tpu.dimension_semantics<core_parallel>, #tpu.dimension_semantics<subcore_parallel>], iteration_bounds = array<i64: 2, 16>, scalar_prefetch = 0 : i64, scratch_operands = 6 : i64, tpu.core_type = #tpu.core_type<sc_vector_subcore>, window_params = [{transform_indices = #map}, {transform_indices = #map1}, {transform_indices = #map1}]} {
    %mul3A = arith.constant 2 : i32
    %mul3A_0 = arith.muli %arg1, %mul3A : i32
    %add3A = arith.addi %mul3A_0, %arg0 : i32
    %mul3A_1 = arith.constant 128 : i32
    %mul3A_2 = arith.muli %add3A, %mul3A_1 : i32
    "tpu.region"() ({
      %run_scoped3A = tpu.sem_alloc : memref<!tpu.dma_semaphore, #tpu.memory_space<semaphore_mem>>
      %dma_start3A_17 = tpu.memref_slice %arg2[%mul3A_2] : memref<4096xi32, #tpu.memory_space<hbm>> -> memref<64xi32, #tpu.memory_space<hbm>>
      %dma_start3A_18 = tpu.memref_slice %arg2[%mul3A_2] : memref<4096xi32, #tpu.memory_space<hbm>> -> memref<64xi32, #tpu.memory_space<hbm>>
      tpu.enqueue_dma source(%dma_start3A_18 : memref<64xi32, #tpu.memory_space<hbm>>) target(%arg5 : memref<64xi32, #tpu.memory_space<vmem>>) target_semaphore(%run_scoped3A : memref<!tpu.dma_semaphore, #tpu.memory_space<semaphore_mem>>)
      %dma_wait3A_19 = tpu.memref_slice %arg2[%mul3A_2] : memref<4096xi32, #tpu.memory_space<hbm>> -> memref<64xi32, #tpu.memory_space<hbm>>
      %dma_wait3A_20 = tpu.memref_slice %arg2[%mul3A_2] : memref<4096xi32, #tpu.memory_space<hbm>> -> memref<64xi32, #tpu.memory_space<hbm>>
      tpu.wait_dma2 semaphore(%run_scoped3A : memref<!tpu.dma_semaphore, #tpu.memory_space<semaphore_mem>>) src(%dma_wait3A_20 : memref<64xi32, #tpu.memory_space<hbm>>) dst(%arg5 : memref<64xi32, #tpu.memory_space<vmem>>)
      tpu.yield
    }) : () -> ()
    "tpu.region"() ({
      %run_scoped3A = tpu.sem_alloc : memref<!tpu.dma_semaphore, #tpu.memory_space<semaphore_mem>>
      %dma_start3A_17 = arith.constant 0 : i32
      %dma_start3A_18 = tpu.memref_slice %arg3[%mul3A_2, %dma_start3A_17] : memref<4096x768xf32, #tpu.memory_space<hbm>> -> memref<64x768xf32, #tpu.memory_space<hbm>>
      %dma_start3A_19 = arith.constant 0 : i32
      %dma_start3A_20 = tpu.memref_slice %arg3[%mul3A_2, %dma_start3A_19] : memref<4096x768xf32, #tpu.memory_space<hbm>> -> memref<64x768xf32, #tpu.memory_space<hbm>>
      tpu.enqueue_dma source(%dma_start3A_20 : memref<64x768xf32, #tpu.memory_space<hbm>>) target(%arg7 : memref<64x768xf32, #tpu.memory_space<vmem>>) target_semaphore(%run_scoped3A : memref<!tpu.dma_semaphore, #tpu.memory_space<semaphore_mem>>)
      %dma_wait3A_21 = arith.constant 0 : i32
      %dma_wait3A_22 = tpu.memref_slice %arg3[%mul3A_2, %dma_wait3A_21] : memref<4096x768xf32, #tpu.memory_space<hbm>> -> memref<64x768xf32, #tpu.memory_space<hbm>>
      %dma_wait3A_23 = arith.constant 0 : i32
      %dma_wait3A_24 = tpu.memref_slice %arg3[%mul3A_2, %dma_wait3A_23] : memref<4096x768xf32, #tpu.memory_space<hbm>> -> memref<64x768xf32, #tpu.memory_space<hbm>>
      tpu.wait_dma2 semaphore(%run_scoped3A : memref<!tpu.dma_semaphore, #tpu.memory_space<semaphore_mem>>) src(%dma_wait3A_24 : memref<64x768xf32, #tpu.memory_space<hbm>>) dst(%arg7 : memref<64x768xf32, #tpu.memory_space<vmem>>)
      tpu.yield
    }) : () -> ()
    %dma_start3A = arith.constant 0 : i32
    %dma_start3A_3 = arith.constant 0 : i32
    %dma_start3A_4 = tpu.memref_slice %arg4[%dma_start3A, %dma_start3A_3] : memref<12288x768xf32, #tpu.memory_space<hbm>> -> memref<12288x768xf32, #tpu.memory_space<hbm>>
    tpu.enqueue_indirect_dma source(%arg7 : memref<64x768xf32, #tpu.memory_space<vmem>>) target(%dma_start3A_4 : memref<12288x768xf32, #tpu.memory_space<hbm>>) offsets(%arg5 : memref<64xi32, #tpu.memory_space<vmem>>) semaphore(%arg9 : memref<!tpu.dma_semaphore, #tpu.memory_space<semaphore_mem>>)
    %add3A_5 = arith.constant 64 : i32
    %add3A_6 = arith.addi %mul3A_2, %add3A_5 : i32
    "tpu.region"() ({
      %run_scoped3A = tpu.sem_alloc : memref<!tpu.dma_semaphore, #tpu.memory_space<semaphore_mem>>
      %dma_start3A_17 = tpu.memref_slice %arg2[%add3A_6] : memref<4096xi32, #tpu.memory_space<hbm>> -> memref<64xi32, #tpu.memory_space<hbm>>
      %dma_start3A_18 = tpu.memref_slice %arg2[%add3A_6] : memref<4096xi32, #tpu.memory_space<hbm>> -> memref<64xi32, #tpu.memory_space<hbm>>
      tpu.enqueue_dma source(%dma_start3A_18 : memref<64xi32, #tpu.memory_space<hbm>>) target(%arg6 : memref<64xi32, #tpu.memory_space<vmem>>) target_semaphore(%run_scoped3A : memref<!tpu.dma_semaphore, #tpu.memory_space<semaphore_mem>>)
      %dma_wait3A_19 = tpu.memref_slice %arg2[%add3A_6] : memref<4096xi32, #tpu.memory_space<hbm>> -> memref<64xi32, #tpu.memory_space<hbm>>
      %dma_wait3A_20 = tpu.memref_slice %arg2[%add3A_6] : memref<4096xi32, #tpu.memory_space<hbm>> -> memref<64xi32, #tpu.memory_space<hbm>>
      tpu.wait_dma2 semaphore(%run_scoped3A : memref<!tpu.dma_semaphore, #tpu.memory_space<semaphore_mem>>) src(%dma_wait3A_20 : memref<64xi32, #tpu.memory_space<hbm>>) dst(%arg6 : memref<64xi32, #tpu.memory_space<vmem>>)
      tpu.yield
    }) : () -> ()
    %add3A_7 = arith.constant 64 : i32
    %add3A_8 = arith.addi %mul3A_2, %add3A_7 : i32
    "tpu.region"() ({
      %run_scoped3A = tpu.sem_alloc : memref<!tpu.dma_semaphore, #tpu.memory_space<semaphore_mem>>
      %dma_start3A_17 = arith.constant 0 : i32
      %dma_start3A_18 = tpu.memref_slice %arg3[%add3A_8, %dma_start3A_17] : memref<4096x768xf32, #tpu.memory_space<hbm>> -> memref<64x768xf32, #tpu.memory_space<hbm>>
      %dma_start3A_19 = arith.constant 0 : i32
      %dma_start3A_20 = tpu.memref_slice %arg3[%add3A_8, %dma_start3A_19] : memref<4096x768xf32, #tpu.memory_space<hbm>> -> memref<64x768xf32, #tpu.memory_space<hbm>>
      tpu.enqueue_dma source(%dma_start3A_20 : memref<64x768xf32, #tpu.memory_space<hbm>>) target(%arg8 : memref<64x768xf32, #tpu.memory_space<vmem>>) target_semaphore(%run_scoped3A : memref<!tpu.dma_semaphore, #tpu.memory_space<semaphore_mem>>)
      %dma_wait3A_21 = arith.constant 0 : i32
      %dma_wait3A_22 = tpu.memref_slice %arg3[%add3A_8, %dma_wait3A_21] : memref<4096x768xf32, #tpu.memory_space<hbm>> -> memref<64x768xf32, #tpu.memory_space<hbm>>
      %dma_wait3A_23 = arith.constant 0 : i32
      %dma_wait3A_24 = tpu.memref_slice %arg3[%add3A_8, %dma_wait3A_23] : memref<4096x768xf32, #tpu.memory_space<hbm>> -> memref<64x768xf32, #tpu.memory_space<hbm>>
      tpu.wait_dma2 semaphore(%run_scoped3A : memref<!tpu.dma_semaphore, #tpu.memory_space<semaphore_mem>>) src(%dma_wait3A_24 : memref<64x768xf32, #tpu.memory_space<hbm>>) dst(%arg8 : memref<64x768xf32, #tpu.memory_space<vmem>>)
      tpu.yield
    }) : () -> ()
    %dma_start3A_9 = arith.constant 0 : i32
    %dma_start3A_10 = arith.constant 0 : i32
    %dma_start3A_11 = tpu.memref_slice %arg4[%dma_start3A_9, %dma_start3A_10] : memref<12288x768xf32, #tpu.memory_space<hbm>> -> memref<12288x768xf32, #tpu.memory_space<hbm>>
    tpu.enqueue_indirect_dma source(%arg8 : memref<64x768xf32, #tpu.memory_space<vmem>>) target(%dma_start3A_11 : memref<12288x768xf32, #tpu.memory_space<hbm>>) offsets(%arg6 : memref<64xi32, #tpu.memory_space<vmem>>) semaphore(%arg10 : memref<!tpu.dma_semaphore, #tpu.memory_space<semaphore_mem>>)
    %dma_wait3A = arith.constant 0 : i32
    %dma_wait3A_12 = arith.constant 0 : i32
    %dma_wait3A_13 = tpu.memref_slice %arg4[%dma_wait3A, %dma_wait3A_12] : memref<12288x768xf32, #tpu.memory_space<hbm>> -> memref<12288x768xf32, #tpu.memory_space<hbm>>
    tpu.wait_indirect_dma semaphore(%arg9 : memref<!tpu.dma_semaphore, #tpu.memory_space<semaphore_mem>>) src(%arg7 : memref<64x768xf32, #tpu.memory_space<vmem>>) dst(%dma_wait3A_13 : memref<12288x768xf32, #tpu.memory_space<hbm>>)
    %dma_wait3A_14 = arith.constant 0 : i32
    %dma_wait3A_15 = arith.constant 0 : i32
    %dma_wait3A_16 = tpu.memref_slice %arg4[%dma_wait3A_14, %dma_wait3A_15] : memref<12288x768xf32, #tpu.memory_space<hbm>> -> memref<12288x768xf32, #tpu.memory_space<hbm>>
    tpu.wait_indirect_dma semaphore(%arg10 : memref<!tpu.dma_semaphore, #tpu.memory_space<semaphore_mem>>) src(%arg8 : memref<64x768xf32, #tpu.memory_space<vmem>>) dst(%dma_wait3A_16 : memref<12288x768xf32, #tpu.memory_space<hbm>>)
    return
  }
}

module attributes {stable_mosaic.version = 14 : i64} {
  func.func @_mlp_body(%arg0: i32, %arg1: memref<1xi32, #tpu.memory_space<smem>>, %arg2: memref<96xi32, #tpu.memory_space<smem>>, %arg3: memref<128x768xf32, #tpu.memory_space<vmem>>, %arg4: memref<1x1536x768xf32, #tpu.memory_space<vmem>>, %arg5: memref<1x1x1536xf32, #tpu.memory_space<vmem>>, %arg6: memref<1x768x1536xf32, #tpu.memory_space<vmem>>, %arg7: memref<1x1x768xf32, #tpu.memory_space<vmem>>, %arg8: memref<128x768xf32, #tpu.memory_space<vmem>>) attributes {dimension_semantics = [#tpu.dimension_semantics<arbitrary>], iteration_bounds = array<i64: 96>, scalar_prefetch = 2 : i64, scratch_operands = 0 : i64, tpu.core_type = #tpu.core_type<tc>, window_params = [{transform_indices = @transform_0, window_bounds = array<i64: 128, 768>}, {transform_indices = @transform_1, window_bounds = array<i64: 1, 1536, 768>}, {transform_indices = @transform_2, window_bounds = array<i64: 1, 1, 1536>}, {transform_indices = @transform_3, window_bounds = array<i64: 1, 768, 1536>}, {transform_indices = @transform_4, window_bounds = array<i64: 1, 1, 768>}, {transform_indices = @transform_5, window_bounds = array<i64: 128, 768>}]} {
    %get3A = arith.constant 0 : index
    %get3A_0 = memref.load %arg1[%get3A] : memref<1xi32, #tpu.memory_space<smem>>
    %lt3A = arith.cmpi slt, %arg0, %get3A_0 : i32
    %convert_element_type3A = arith.extui %lt3A : i1 to i32
    %cond3A = arith.constant 0 : i32
    %cond3A_1 = arith.cmpi ne, %convert_element_type3A, %cond3A : i32
    scf.if %cond3A_1 {
      %get3A_2 = arith.constant 0 : index
      %get3A_3 = arith.constant 0 : index
      %get3A_4 = vector.load %arg3[%get3A_2, %get3A_3] : memref<128x768xf32, #tpu.memory_space<vmem>>, vector<128x768xf32>
      %convert_element_type3A_5 = arith.truncf %get3A_4 : vector<128x768xf32> to vector<128x768xbf16>
      %get3A_6 = arith.constant 0 : index
      %get3A_7 = arith.constant 0 : index
      %get3A_8 = arith.constant 0 : index
      %get3A_9 = vector.load %arg4[%get3A_6, %get3A_7, %get3A_8] : memref<1x1536x768xf32, #tpu.memory_space<vmem>>, vector<1x1536x768xf32>
      %get3A_10 = vector.shape_cast %get3A_9 : vector<1x1536x768xf32> to vector<1536x768xf32>
      %convert_element_type3A_11 = arith.truncf %get3A_10 : vector<1536x768xf32> to vector<1536x768xbf16>
      %dot_general3A = arith.constant dense<0.000000e+00> : vector<128x1536xf32>
      %dot_general3A_12 = tpu.matmul %convert_element_type3A_5, %convert_element_type3A_11, %dot_general3A {dimension_numbers = #tpu.dot_dimension_numbers<[1], [1], [0], [0], [0, 0, 1, 0], [], []>, transpose_lhs_hint = false} : vector<128x768xbf16>, vector<1536x768xbf16>, vector<128x1536xf32> -> vector<128x1536xf32>
      %get3A_13 = arith.constant 0 : index
      %get3A_14 = arith.constant 0 : index
      %get3A_15 = arith.constant 0 : index
      %get3A_16 = vector.load %arg5[%get3A_13, %get3A_14, %get3A_15] : memref<1x1x1536xf32, #tpu.memory_space<vmem>>, vector<1x1x1536xf32>
      %get3A_17 = vector.shape_cast %get3A_16 : vector<1x1x1536xf32> to vector<1x1536xf32>
      %add3A = vector.broadcast %get3A_17 : vector<1x1536xf32> to vector<128x1536xf32>
      %add3A_18 = arith.addf %dot_general3A_12, %add3A : vector<128x1536xf32>
      %mul3A = arith.constant 5.000000e-01 : f32
      %mul3A_19 = vector.broadcast %mul3A : f32 to vector<128x1536xf32>
      %mul3A_20 = arith.mulf %mul3A_19, %add3A_18 : vector<128x1536xf32>
      %mul3A_21 = arith.constant 0.707106769 : f32
      %mul3A_22 = vector.broadcast %mul3A_21 : f32 to vector<128x1536xf32>
      %mul3A_23 = arith.mulf %add3A_18, %mul3A_22 : vector<128x1536xf32>
      %erf3A = math.erf %mul3A_23 : vector<128x1536xf32>
      %add3A_24 = arith.constant 1.000000e+00 : f32
      %add3A_25 = vector.broadcast %add3A_24 : f32 to vector<128x1536xf32>
      %add3A_26 = arith.addf %add3A_25, %erf3A : vector<128x1536xf32>
      %mul3A_27 = arith.mulf %mul3A_20, %add3A_26 : vector<128x1536xf32>
      %convert_element_type3A_28 = arith.truncf %mul3A_27 : vector<128x1536xf32> to vector<128x1536xbf16>
      %get3A_29 = arith.constant 0 : index
      %get3A_30 = arith.constant 0 : index
      %get3A_31 = arith.constant 0 : index
      %get3A_32 = vector.load %arg6[%get3A_29, %get3A_30, %get3A_31] : memref<1x768x1536xf32, #tpu.memory_space<vmem>>, vector<1x768x1536xf32>
      %get3A_33 = vector.shape_cast %get3A_32 : vector<1x768x1536xf32> to vector<768x1536xf32>
      %convert_element_type3A_34 = arith.truncf %get3A_33 : vector<768x1536xf32> to vector<768x1536xbf16>
      %dot_general3A_35 = arith.constant dense<0.000000e+00> : vector<128x768xf32>
      %dot_general3A_36 = tpu.matmul %convert_element_type3A_28, %convert_element_type3A_34, %dot_general3A_35 {dimension_numbers = #tpu.dot_dimension_numbers<[1], [1], [0], [0], [0, 0, 1, 0], [], []>, transpose_lhs_hint = false} : vector<128x1536xbf16>, vector<768x1536xbf16>, vector<128x768xf32> -> vector<128x768xf32>
      %get3A_37 = arith.constant 0 : index
      %get3A_38 = arith.constant 0 : index
      %get3A_39 = arith.constant 0 : index
      %get3A_40 = vector.load %arg7[%get3A_37, %get3A_38, %get3A_39] : memref<1x1x768xf32, #tpu.memory_space<vmem>>, vector<1x1x768xf32>
      %get3A_41 = vector.shape_cast %get3A_40 : vector<1x1x768xf32> to vector<1x768xf32>
      %add3A_42 = vector.broadcast %get3A_41 : vector<1x768xf32> to vector<128x768xf32>
      %add3A_43 = arith.addf %dot_general3A_36, %add3A_42 : vector<128x768xf32>
      %swap3A = arith.constant 0 : index
      %swap3A_44 = arith.constant 0 : index
      %swap3A_45 = vector.load %arg8[%swap3A, %swap3A_44] : memref<128x768xf32, #tpu.memory_space<vmem>>, vector<128x768xf32>
      tpu.vector_store %arg8[%swap3A, %swap3A_44], %add3A_43 {strides = array<i32>} : memref<128x768xf32, #tpu.memory_space<vmem>>, vector<128x768xf32>,
    } else {
    }
    return
  }
  func.func @transform_0(%arg0: i32, %arg1: memref<1xi32, #tpu.memory_space<smem>>, %arg2: memref<96xi32, #tpu.memory_space<smem>>) -> (i32, i32) {
    %get3A = arith.constant 0 : index
    %get3A_0 = memref.load %arg1[%get3A] : memref<1xi32, #tpu.memory_space<smem>>
    %sub3A = arith.constant 1 : i32
    %sub3A_1 = arith.subi %get3A_0, %sub3A : i32
    %min3A = arith.minsi %arg0, %sub3A_1 : i32
    %c0_i32 = arith.constant 0 : i32
    %c0_i32_2 = arith.constant 0 : i32
    return %min3A, %c0_i32 : i32, i32
  }
  func.func @transform_1(%arg0: i32, %arg1: memref<1xi32, #tpu.memory_space<smem>>, %arg2: memref<96xi32, #tpu.memory_space<smem>>) -> (i32, i32, i32) {
    %get3A = arith.index_cast %arg0 : i32 to index
    %get3A_0 = memref.load %arg2[%get3A] : memref<96xi32, #tpu.memory_space<smem>>
    %c0_i32 = arith.constant 0 : i32
    %c0_i32_1 = arith.constant 0 : i32
    %c0_i32_2 = arith.constant 0 : i32
    return %get3A_0, %c0_i32, %c0_i32_1 : i32, i32, i32
  }
  func.func @transform_2(%arg0: i32, %arg1: memref<1xi32, #tpu.memory_space<smem>>, %arg2: memref<96xi32, #tpu.memory_space<smem>>) -> (i32, i32, i32) {
    %get3A = arith.index_cast %arg0 : i32 to index
    %get3A_0 = memref.load %arg2[%get3A] : memref<96xi32, #tpu.memory_space<smem>>
    %c0_i32 = arith.constant 0 : i32
    %c0_i32_1 = arith.constant 0 : i32
    %c0_i32_2 = arith.constant 0 : i32
    return %get3A_0, %c0_i32, %c0_i32_1 : i32, i32, i32
  }
  func.func @transform_3(%arg0: i32, %arg1: memref<1xi32, #tpu.memory_space<smem>>, %arg2: memref<96xi32, #tpu.memory_space<smem>>) -> (i32, i32, i32) {
    %get3A = arith.index_cast %arg0 : i32 to index
    %get3A_0 = memref.load %arg2[%get3A] : memref<96xi32, #tpu.memory_space<smem>>
    %c0_i32 = arith.constant 0 : i32
    %c0_i32_1 = arith.constant 0 : i32
    %c0_i32_2 = arith.constant 0 : i32
    return %get3A_0, %c0_i32, %c0_i32_1 : i32, i32, i32
  }
  func.func @transform_4(%arg0: i32, %arg1: memref<1xi32, #tpu.memory_space<smem>>, %arg2: memref<96xi32, #tpu.memory_space<smem>>) -> (i32, i32, i32) {
    %get3A = arith.index_cast %arg0 : i32 to index
    %get3A_0 = memref.load %arg2[%get3A] : memref<96xi32, #tpu.memory_space<smem>>
    %c0_i32 = arith.constant 0 : i32
    %c0_i32_1 = arith.constant 0 : i32
    %c0_i32_2 = arith.constant 0 : i32
    return %get3A_0, %c0_i32, %c0_i32_1 : i32, i32, i32
  }
  func.func @transform_5(%arg0: i32, %arg1: memref<1xi32, #tpu.memory_space<smem>>, %arg2: memref<96xi32, #tpu.memory_space<smem>>) -> (i32, i32) {
    %get3A = arith.constant 0 : index
    %get3A_0 = memref.load %arg1[%get3A] : memref<1xi32, #tpu.memory_space<smem>>
    %sub3A = arith.constant 1 : i32
    %sub3A_1 = arith.subi %get3A_0, %sub3A : i32
    %min3A = arith.minsi %arg0, %sub3A_1 : i32
    %c0_i32 = arith.constant 0 : i32
    %c0_i32_2 = arith.constant 0 : i32
    return %min3A, %c0_i32 : i32, i32
  }
}

module attributes {stable_mosaic.version = 14 : i64} {
  func.func @_gate_body(%arg0: i32, %arg1: memref<512x768xf32, #tpu.memory_space<vmem>>, %arg2: memref<64x768xf32, #tpu.memory_space<vmem>>, %arg3: memref<1x64xf32, #tpu.memory_space<vmem>>, %arg4: memref<1x4096xi32, #tpu.memory_space<vmem>>, %arg5: memref<1x96xi32, #tpu.memory_space<vmem>>, %arg6: memref<1x1xi32, #tpu.memory_space<vmem>>, %arg7: memref<1x64xf32, #tpu.memory_space<vmem>>, %arg8: memref<4096x64xf32, #tpu.memory_space<vmem>>, %arg9: memref<8x512xf32, #tpu.memory_space<vmem>>, %arg10: memref<512x512xf32, #tpu.memory_space<vmem>>) attributes {dimension_semantics = [#tpu.dimension_semantics<arbitrary>], iteration_bounds = array<i64: 9>, scalar_prefetch = 0 : i64, scratch_operands = 4 : i64, tpu.core_type = #tpu.core_type<tc>, window_params = [{transform_indices = @transform_0, window_bounds = array<i64: 512, 768>}, {pipeline_mode = #tpu.pipeline_mode<synchronous>, transform_indices = @transform_1, window_bounds = array<i64: 64, 768>}, {pipeline_mode = #tpu.pipeline_mode<synchronous>, transform_indices = @transform_2, window_bounds = array<i64: 1, 64>}, {pipeline_mode = #tpu.pipeline_mode<synchronous>, transform_indices = @transform_3, window_bounds = array<i64: 1, 4096>}, {pipeline_mode = #tpu.pipeline_mode<synchronous>, transform_indices = @transform_4, window_bounds = array<i64: 1, 96>}, {pipeline_mode = #tpu.pipeline_mode<synchronous>, transform_indices = @transform_5, window_bounds = array<i64: 1, 1>}]} {
    %eq3A = arith.constant 0 : i32
    %eq3A_0 = arith.cmpi eq, %arg0, %eq3A : i32
    %convert_element_type3A = arith.extui %eq3A_0 : i1 to i32
    %cond3A = arith.constant 0 : i32
    %cond3A_1 = arith.cmpi ne, %convert_element_type3A, %cond3A : i32
    scf.if %cond3A_1 {
      %broadcast_in_dim3A = arith.constant 0.000000e+00 : f32
      %broadcast_in_dim3A_11 = vector.broadcast %broadcast_in_dim3A : f32 to vector<1x64xf32>
      %swap3A = arith.constant 0 : index
      %swap3A_12 = arith.constant 0 : index
      %swap3A_13 = vector.load %arg7[%swap3A, %swap3A_12] : memref<1x64xf32, #tpu.memory_space<vmem>>, vector<1x64xf32>
      tpu.vector_store %arg7[%swap3A, %swap3A_12], %broadcast_in_dim3A_11 {strides = array<i32>} : memref<1x64xf32, #tpu.memory_space<vmem>>, vector<1x64xf32>,
      %iota3A = tpu.iota {dimensions = array<i32: 0>} : vector<512x512xi32>
      %iota3A_14 = tpu.iota {dimensions = array<i32: 1>} : vector<512x512xi32>
      %lt3A_15 = arith.cmpi slt, %iota3A_14, %iota3A : vector<512x512xi32>
      %convert_element_type3A_16 = arith.extui %lt3A_15 : vector<512x512xi1> to vector<512x512xi32>
      %convert_element_type3A_17 = arith.sitofp %convert_element_type3A_16 : vector<512x512xi32> to vector<512x512xf32>
      %swap3A_18 = arith.constant 0 : index
      %swap3A_19 = arith.constant 0 : index
      %swap3A_20 = vector.load %arg10[%swap3A_18, %swap3A_19] : memref<512x512xf32, #tpu.memory_space<vmem>>, vector<512x512xf32>
      tpu.vector_store %arg10[%swap3A_18, %swap3A_19], %convert_element_type3A_17 {strides = array<i32>} : memref<512x512xf32, #tpu.memory_space<vmem>>, vector<512x512xf32>,
    } else {
    }
    %lt3A = arith.constant 8 : i32
    %lt3A_2 = arith.cmpi slt, %arg0, %lt3A : i32
    %convert_element_type3A_3 = arith.extui %lt3A_2 : i1 to i32
    %cond3A_4 = arith.constant 0 : i32
    %cond3A_5 = arith.cmpi ne, %convert_element_type3A_3, %cond3A_4 : i32
    scf.if %cond3A_5 {
      %get3A = arith.constant 0 : index
      %get3A_11 = arith.constant 0 : index
      %get3A_12 = vector.load %arg1[%get3A, %get3A_11] : memref<512x768xf32, #tpu.memory_space<vmem>>, vector<512x768xf32>
      %get3A_13 = arith.constant 0 : index
      %get3A_14 = arith.constant 0 : index
      %get3A_15 = vector.load %arg2[%get3A_13, %get3A_14] : memref<64x768xf32, #tpu.memory_space<vmem>>, vector<64x768xf32>
      %dot_general3A = arith.constant dense<0.000000e+00> : vector<512x64xf32>
      %dot_general3A_16 = tpu.matmul %get3A_12, %get3A_15, %dot_general3A {dimension_numbers = #tpu.dot_dimension_numbers<[1], [1], [0], [0], [0, 0, 1, 0], [], []>, transpose_lhs_hint = false} : vector<512x768xf32>, vector<64x768xf32>, vector<512x64xf32> -> vector<512x64xf32>
      %get3A_17 = arith.constant 0 : index
      %get3A_18 = arith.constant 0 : index
      %get3A_19 = vector.load %arg3[%get3A_17, %get3A_18] : memref<1x64xf32, #tpu.memory_space<vmem>>, vector<1x64xf32>
      %add3A = vector.broadcast %get3A_19 : vector<1x64xf32> to vector<512x64xf32>
      %add3A_20 = arith.addf %dot_general3A_16, %add3A : vector<512x64xf32>
      %reduce_max3A = arith.constant dense<0xFF800000> : vector<512xf32>
      %reduce_max3A_21 = vector.multi_reduction <maximumf>, %add3A_20, %reduce_max3A [1] : vector<512x64xf32> to vector<512xf32>
      %broadcast_in_dim3A = vector.shape_cast %reduce_max3A_21 : vector<512xf32> to vector<512x1xf32>
      %iota3A = tpu.iota {dimensions = array<i32: 1>} : vector<512x64xi32>
      %eq3A_22 = vector.broadcast %broadcast_in_dim3A : vector<512x1xf32> to vector<512x64xf32>
      %eq3A_23 = arith.cmpf oeq, %add3A_20, %eq3A_22 : vector<512x64xf32>
      %jit3A = arith.constant 64 : i32
      %broadcast_in_dim3A_24 = vector.broadcast %jit3A : i32 to vector<512x64xi32>
      %select_n3A = arith.select %eq3A_23, %iota3A, %broadcast_in_dim3A_24 : vector<512x64xi1>, vector<512x64xi32>
      %reduce_min3A = arith.constant dense<2147483647> : vector<512xi32>
      %reduce_min3A_25 = vector.multi_reduction <minsi>, %select_n3A, %reduce_min3A [1] : vector<512x64xi32> to vector<512xi32>
      %broadcast_in_dim3A_26 = vector.shape_cast %reduce_min3A_25 : vector<512xi32> to vector<512x1xi32>
      %eq3A_27 = vector.broadcast %broadcast_in_dim3A_26 : vector<512x1xi32> to vector<512x64xi32>
      %eq3A_28 = arith.cmpi eq, %iota3A, %eq3A_27 : vector<512x64xi32>
      %convert_element_type3A_29 = arith.extui %eq3A_28 : vector<512x64xi1> to vector<512x64xi32>
      %convert_element_type3A_30 = arith.sitofp %convert_element_type3A_29 : vector<512x64xi32> to vector<512x64xf32>
      %get3A_31 = arith.constant 0 : index
      %get3A_32 = arith.constant 0 : index
      %get3A_33 = vector.load %arg10[%get3A_31, %get3A_32] : memref<512x512xf32, #tpu.memory_space<vmem>>, vector<512x512xf32>
      %dot_general3A_34 = arith.constant dense<0.000000e+00> : vector<512x64xf32>
      %dot_general3A_35 = tpu.matmul %get3A_33, %convert_element_type3A_30, %dot_general3A_34 {dimension_numbers = #tpu.dot_dimension_numbers<[1], [0], [0], [1], [0, 0, 1, 1], [], []>, transpose_lhs_hint = false} : vector<512x512xf32>, vector<512x64xf32>, vector<512x64xf32> -> vector<512x64xf32>
      %get3A_36 = arith.constant 0 : index
      %get3A_37 = arith.constant 0 : index
      %get3A_38 = vector.load %arg7[%get3A_36, %get3A_37] : memref<1x64xf32, #tpu.memory_space<vmem>>, vector<1x64xf32>
      %add3A_39 = vector.broadcast %get3A_38 : vector<1x64xf32> to vector<512x64xf32>
      %add3A_40 = arith.addf %dot_general3A_35, %add3A_39 : vector<512x64xf32>
      %mul3A = arith.mulf %convert_element_type3A_30, %add3A_40 : vector<512x64xf32>
      %reduce_sum3A = arith.constant dense<0.000000e+00> : vector<512xf32>
      %reduce_sum3A_41 = vector.multi_reduction <add>, %mul3A, %reduce_sum3A [1] : vector<512x64xf32> to vector<512xf32>
      %mul3A_42 = arith.constant 512 : i32
      %mul3A_43 = arith.muli %arg0, %mul3A_42 : i32
      %swap3A = arith.index_cast %mul3A_43 : i32 to index
      %swap3A_44 = arith.constant 0 : index
      %swap3A_45 = vector.load %arg8[%swap3A, %swap3A_44] : memref<4096x64xf32, #tpu.memory_space<vmem>>, vector<512x64xf32>
      tpu.vector_store %arg8[%swap3A, %swap3A_44], %convert_element_type3A_30 {strides = array<i32>} : memref<4096x64xf32, #tpu.memory_space<vmem>>, vector<512x64xf32>,
      %reshape3A = vector.shape_cast %reduce_sum3A_41 : vector<512xf32> to vector<1x512xf32>
      %swap3A_46 = arith.index_cast %arg0 : i32 to index
      %swap3A_47 = arith.constant 0 : index
      %swap3A_48 = vector.load %arg9[%swap3A_46, %swap3A_47] : memref<8x512xf32, #tpu.memory_space<vmem>>, vector<1x512xf32>
      tpu.vector_store %arg9[%swap3A_46, %swap3A_47], %reshape3A {strides = array<i32>} : memref<8x512xf32, #tpu.memory_space<vmem>>, vector<1x512xf32>,
      %get3A_49 = arith.constant 0 : index
      %get3A_50 = arith.constant 0 : index
      %get3A_51 = vector.load %arg7[%get3A_49, %get3A_50] : memref<1x64xf32, #tpu.memory_space<vmem>>, vector<1x64xf32>
      %reduce_sum3A_52 = arith.constant dense<0.000000e+00> : vector<64xf32>
      %reduce_sum3A_53 = vector.multi_reduction <add>, %convert_element_type3A_30, %reduce_sum3A_52 [0] : vector<512x64xf32> to vector<64xf32>
      %broadcast_in_dim3A_54 = vector.shape_cast %reduce_sum3A_53 : vector<64xf32> to vector<1x64xf32>
      %add3A_55 = arith.addf %get3A_51, %broadcast_in_dim3A_54 : vector<1x64xf32>
      %swap3A_56 = arith.constant 0 : index
      %swap3A_57 = arith.constant 0 : index
      %swap3A_58 = vector.load %arg7[%swap3A_56, %swap3A_57] : memref<1x64xf32, #tpu.memory_space<vmem>>, vector<1x64xf32>
      tpu.vector_store %arg7[%swap3A_56, %swap3A_57], %add3A_55 {strides = array<i32>} : memref<1x64xf32, #tpu.memory_space<vmem>>, vector<1x64xf32>,
    } else {
    }
    %eq3A_6 = arith.constant 8 : i32
    %eq3A_7 = arith.cmpi eq, %arg0, %eq3A_6 : i32
    %convert_element_type3A_8 = arith.extui %eq3A_7 : i1 to i32
    %cond3A_9 = arith.constant 0 : i32
    %cond3A_10 = arith.cmpi ne, %convert_element_type3A_8, %cond3A_9 : i32
    scf.if %cond3A_10 {
      %get3A = arith.constant 0 : index
      %get3A_11 = arith.constant 0 : index
      %get3A_12 = vector.load %arg7[%get3A, %get3A_11] : memref<1x64xf32, #tpu.memory_space<vmem>>, vector<1x64xf32>
      %add3A = arith.constant 1.270000e+02 : f32
      %add3A_13 = vector.broadcast %add3A : f32 to vector<1x64xf32>
      %add3A_14 = arith.addf %get3A_12, %add3A_13 : vector<1x64xf32>
      %mul3A = arith.constant 7.812500e-03 : f32
      %mul3A_15 = vector.broadcast %mul3A : f32 to vector<1x64xf32>
      %mul3A_16 = arith.mulf %add3A_14, %mul3A_15 : vector<1x64xf32>
      %floor3A = math.floor %mul3A_16 : vector<1x64xf32>
      %iota3A = tpu.iota {dimensions = array<i32: 0>} : vector<64x64xi32>
      %iota3A_17 = tpu.iota {dimensions = array<i32: 1>} : vector<64x64xi32>
      %le3A = arith.cmpi sle, %iota3A, %iota3A_17 : vector<64x64xi32>
      %convert_element_type3A_18 = arith.extui %le3A : vector<64x64xi1> to vector<64x64xi32>
      %convert_element_type3A_19 = arith.sitofp %convert_element_type3A_18 : vector<64x64xi32> to vector<64x64xf32>
      %dot_general3A = arith.constant dense<0.000000e+00> : vector<1x64xf32>
      %dot_general3A_20 = tpu.matmul %floor3A, %convert_element_type3A_19, %dot_general3A {dimension_numbers = #tpu.dot_dimension_numbers<[1], [0], [0], [1], [0, 0, 1, 1], [], []>, transpose_lhs_hint = false} : vector<1x64xf32>, vector<64x64xf32>, vector<1x64xf32> -> vector<1x64xf32>
      %reduce_sum3A = arith.constant dense<0.000000e+00> : vector<1xf32>
      %reduce_sum3A_21 = vector.multi_reduction <add>, %floor3A, %reduce_sum3A [1] : vector<1x64xf32> to vector<1xf32>
      %broadcast_in_dim3A = vector.shape_cast %reduce_sum3A_21 : vector<1xf32> to vector<1x1xf32>
      %convert_element_type3A_22 = arith.fptosi %broadcast_in_dim3A : vector<1x1xf32> to vector<1x1xi32>
      %swap3A = arith.constant 0 : index
      %swap3A_23 = arith.constant 0 : index
      %swap3A_24 = vector.load %arg6[%swap3A, %swap3A_23] : memref<1x1xi32, #tpu.memory_space<vmem>>, vector<1x1xi32>
      tpu.vector_store %arg6[%swap3A, %swap3A_23], %convert_element_type3A_22 {strides = array<i32>} : memref<1x1xi32, #tpu.memory_space<vmem>>, vector<1x1xi32>,
      %iota3A_25 = tpu.iota {dimensions = array<i32: 0>} : vector<96x64xi32>
      %convert_element_type3A_26 = arith.sitofp %iota3A_25 : vector<96x64xi32> to vector<96x64xf32>
      %broadcast_in_dim3A_27 = vector.shape_cast %broadcast_in_dim3A : vector<1x1xf32> to vector<1x1xf32>
      %broadcast_in_dim3A_28 = vector.broadcast %broadcast_in_dim3A_27 : vector<1x1xf32> to vector<96x64xf32>
      %sub3A = arith.constant 1.000000e+00 : f32
      %sub3A_29 = vector.broadcast %sub3A : f32 to vector<96x64xf32>
      %sub3A_30 = arith.subf %broadcast_in_dim3A_28, %sub3A_29 : vector<96x64xf32>
      %min3A = arith.minimumf %convert_element_type3A_26, %sub3A_30 : vector<96x64xf32>
      %broadcast_in_dim3A_31 = vector.shape_cast %dot_general3A_20 : vector<1x64xf32> to vector<1x64xf32>
      %broadcast_in_dim3A_32 = vector.broadcast %broadcast_in_dim3A_31 : vector<1x64xf32> to vector<96x64xf32>
      %le3A_33 = arith.cmpf ole, %broadcast_in_dim3A_32, %min3A : vector<96x64xf32>
      %convert_element_type3A_34 = arith.extui %le3A_33 : vector<96x64xi1> to vector<96x64xi32>
      %convert_element_type3A_35 = arith.sitofp %convert_element_type3A_34 : vector<96x64xi32> to vector<96x64xf32>
      %reduce_sum3A_36 = arith.constant dense<0.000000e+00> : vector<96xf32>
      %reduce_sum3A_37 = vector.multi_reduction <add>, %convert_element_type3A_35, %reduce_sum3A_36 [1] : vector<96x64xf32> to vector<96xf32>
      %convert_element_type3A_38 = arith.fptosi %reduce_sum3A_37 : vector<96xf32> to vector<96xi32>
      %reshape3A = vector.shape_cast %convert_element_type3A_38 : vector<96xi32> to vector<1x96xi32>
      %swap3A_39 = arith.constant 0 : index
      %swap3A_40 = arith.constant 0 : index
      %swap3A_41 = vector.load %arg5[%swap3A_39, %swap3A_40] : memref<1x96xi32, #tpu.memory_space<vmem>>, vector<1x96xi32>
      tpu.vector_store %arg5[%swap3A_39, %swap3A_40], %reshape3A {strides = array<i32>} : memref<1x96xi32, #tpu.memory_space<vmem>>, vector<1x96xi32>,
      %sub3A_42 = arith.subf %dot_general3A_20, %floor3A : vector<1x64xf32>
      %mul3A_43 = arith.constant 1.280000e+02 : f32
      %mul3A_44 = vector.broadcast %mul3A_43 : f32 to vector<1x64xf32>
      %mul3A_45 = arith.mulf %sub3A_42, %mul3A_44 : vector<1x64xf32>
      %get3A_46 = arith.constant 0 : index
      %get3A_47 = arith.constant 0 : index
      %get3A_48 = vector.load %arg8[%get3A_46, %get3A_47] : memref<4096x64xf32, #tpu.memory_space<vmem>>, vector<512x64xf32>
      %dot_general3A_49 = arith.constant dense<0.000000e+00> : vector<1x512xf32>
      %dot_general3A_50 = tpu.matmul %mul3A_45, %get3A_48, %dot_general3A_49 {dimension_numbers = #tpu.dot_dimension_numbers<[1], [1], [0], [0], [0, 0, 1, 0], [], []>, transpose_lhs_hint = false} : vector<1x64xf32>, vector<512x64xf32>, vector<1x512xf32> -> vector<1x512xf32>
      %get3A_51 = arith.constant 0 : index
      %get3A_52 = arith.constant 0 : index
      %get3A_53 = vector.load %arg9[%get3A_51, %get3A_52] : memref<8x512xf32, #tpu.memory_space<vmem>>, vector<1x512xf32>
      %add3A_54 = arith.addf %dot_general3A_50, %get3A_53 : vector<1x512xf32>
      %convert_element_type3A_55 = arith.fptosi %add3A_54 : vector<1x512xf32> to vector<1x512xi32>
      %swap3A_56 = arith.constant 0 : index
      %swap3A_57 = arith.constant 0 : index
      %swap3A_58 = vector.load %arg4[%swap3A_56, %swap3A_57] : memref<1x4096xi32, #tpu.memory_space<vmem>>, vector<1x512xi32>
      tpu.vector_store %arg4[%swap3A_56, %swap3A_57], %convert_element_type3A_55 {strides = array<i32>} : memref<1x4096xi32, #tpu.memory_space<vmem>>, vector<1x512xi32>,
      %get3A_59 = arith.constant 512 : index
      %get3A_60 = arith.constant 0 : index
      %get3A_61 = vector.load %arg8[%get3A_59, %get3A_60] : memref<4096x64xf32, #tpu.memory_space<vmem>>, vector<512x64xf32>
      %dot_general3A_62 = arith.constant dense<0.000000e+00> : vector<1x512xf32>
      %dot_general3A_63 = tpu.matmul %mul3A_45, %get3A_61, %dot_general3A_62 {dimension_numbers = #tpu.dot_dimension_numbers<[1], [1], [0], [0], [0, 0, 1, 0], [], []>, transpose_lhs_hint = false} : vector<1x64xf32>, vector<512x64xf32>, vector<1x512xf32> -> vector<1x512xf32>
      %get3A_64 = arith.constant 1 : index
      %get3A_65 = arith.constant 0 : index
      %get3A_66 = vector.load %arg9[%get3A_64, %get3A_65] : memref<8x512xf32, #tpu.memory_space<vmem>>, vector<1x512xf32>
      %add3A_67 = arith.addf %dot_general3A_63, %get3A_66 : vector<1x512xf32>
      %convert_element_type3A_68 = arith.fptosi %add3A_67 : vector<1x512xf32> to vector<1x512xi32>
      %swap3A_69 = arith.constant 0 : index
      %swap3A_70 = arith.constant 512 : index
      %swap3A_71 = vector.load %arg4[%swap3A_69, %swap3A_70] : memref<1x4096xi32, #tpu.memory_space<vmem>>, vector<1x512xi32>
      tpu.vector_store %arg4[%swap3A_69, %swap3A_70], %convert_element_type3A_68 {strides = array<i32>} : memref<1x4096xi32, #tpu.memory_space<vmem>>, vector<1x512xi32>,
      %get3A_72 = arith.constant 1024 : index
      %get3A_73 = arith.constant 0 : index
      %get3A_74 = vector.load %arg8[%get3A_72, %get3A_73] : memref<4096x64xf32, #tpu.memory_space<vmem>>, vector<512x64xf32>
      %dot_general3A_75 = arith.constant dense<0.000000e+00> : vector<1x512xf32>
      %dot_general3A_76 = tpu.matmul %mul3A_45, %get3A_74, %dot_general3A_75 {dimension_numbers = #tpu.dot_dimension_numbers<[1], [1], [0], [0], [0, 0, 1, 0], [], []>, transpose_lhs_hint = false} : vector<1x64xf32>, vector<512x64xf32>, vector<1x512xf32> -> vector<1x512xf32>
      %get3A_77 = arith.constant 2 : index
      %get3A_78 = arith.constant 0 : index
      %get3A_79 = vector.load %arg9[%get3A_77, %get3A_78] : memref<8x512xf32, #tpu.memory_space<vmem>>, vector<1x512xf32>
      %add3A_80 = arith.addf %dot_general3A_76, %get3A_79 : vector<1x512xf32>
      %convert_element_type3A_81 = arith.fptosi %add3A_80 : vector<1x512xf32> to vector<1x512xi32>
      %swap3A_82 = arith.constant 0 : index
      %swap3A_83 = arith.constant 1024 : index
      %swap3A_84 = vector.load %arg4[%swap3A_82, %swap3A_83] : memref<1x4096xi32, #tpu.memory_space<vmem>>, vector<1x512xi32>
      tpu.vector_store %arg4[%swap3A_82, %swap3A_83], %convert_element_type3A_81 {strides = array<i32>} : memref<1x4096xi32, #tpu.memory_space<vmem>>, vector<1x512xi32>,
      %get3A_85 = arith.constant 1536 : index
      %get3A_86 = arith.constant 0 : index
      %get3A_87 = vector.load %arg8[%get3A_85, %get3A_86] : memref<4096x64xf32, #tpu.memory_space<vmem>>, vector<512x64xf32>
      %dot_general3A_88 = arith.constant dense<0.000000e+00> : vector<1x512xf32>
      %dot_general3A_89 = tpu.matmul %mul3A_45, %get3A_87, %dot_general3A_88 {dimension_numbers = #tpu.dot_dimension_numbers<[1], [1], [0], [0], [0, 0, 1, 0], [], []>, transpose_lhs_hint = false} : vector<1x64xf32>, vector<512x64xf32>, vector<1x512xf32> -> vector<1x512xf32>
      %get3A_90 = arith.constant 3 : index
      %get3A_91 = arith.constant 0 : index
      %get3A_92 = vector.load %arg9[%get3A_90, %get3A_91] : memref<8x512xf32, #tpu.memory_space<vmem>>, vector<1x512xf32>
      %add3A_93 = arith.addf %dot_general3A_89, %get3A_92 : vector<1x512xf32>
      %convert_element_type3A_94 = arith.fptosi %add3A_93 : vector<1x512xf32> to vector<1x512xi32>
      %swap3A_95 = arith.constant 0 : index
      %swap3A_96 = arith.constant 1536 : index
      %swap3A_97 = vector.load %arg4[%swap3A_95, %swap3A_96] : memref<1x4096xi32, #tpu.memory_space<vmem>>, vector<1x512xi32>
      tpu.vector_store %arg4[%swap3A_95, %swap3A_96], %convert_element_type3A_94 {strides = array<i32>} : memref<1x4096xi32, #tpu.memory_space<vmem>>, vector<1x512xi32>,
      %get3A_98 = arith.constant 2048 : index
      %get3A_99 = arith.constant 0 : index
      %get3A_100 = vector.load %arg8[%get3A_98, %get3A_99] : memref<4096x64xf32, #tpu.memory_space<vmem>>, vector<512x64xf32>
      %dot_general3A_101 = arith.constant dense<0.000000e+00> : vector<1x512xf32>
      %dot_general3A_102 = tpu.matmul %mul3A_45, %get3A_100, %dot_general3A_101 {dimension_numbers = #tpu.dot_dimension_numbers<[1], [1], [0], [0], [0, 0, 1, 0], [], []>, transpose_lhs_hint = false} : vector<1x64xf32>, vector<512x64xf32>, vector<1x512xf32> -> vector<1x512xf32>
      %get3A_103 = arith.constant 4 : index
      %get3A_104 = arith.constant 0 : index
      %get3A_105 = vector.load %arg9[%get3A_103, %get3A_104] : memref<8x512xf32, #tpu.memory_space<vmem>>, vector<1x512xf32>
      %add3A_106 = arith.addf %dot_general3A_102, %get3A_105 : vector<1x512xf32>
      %convert_element_type3A_107 = arith.fptosi %add3A_106 : vector<1x512xf32> to vector<1x512xi32>
      %swap3A_108 = arith.constant 0 : index
      %swap3A_109 = arith.constant 2048 : index
      %swap3A_110 = vector.load %arg4[%swap3A_108, %swap3A_109] : memref<1x4096xi32, #tpu.memory_space<vmem>>, vector<1x512xi32>
      tpu.vector_store %arg4[%swap3A_108, %swap3A_109], %convert_element_type3A_107 {strides = array<i32>} : memref<1x4096xi32, #tpu.memory_space<vmem>>, vector<1x512xi32>,
      %get3A_111 = arith.constant 2560 : index
      %get3A_112 = arith.constant 0 : index
      %get3A_113 = vector.load %arg8[%get3A_111, %get3A_112] : memref<4096x64xf32, #tpu.memory_space<vmem>>, vector<512x64xf32>
      %dot_general3A_114 = arith.constant dense<0.000000e+00> : vector<1x512xf32>
      %dot_general3A_115 = tpu.matmul %mul3A_45, %get3A_113, %dot_general3A_114 {dimension_numbers = #tpu.dot_dimension_numbers<[1], [1], [0], [0], [0, 0, 1, 0], [], []>, transpose_lhs_hint = false} : vector<1x64xf32>, vector<512x64xf32>, vector<1x512xf32> -> vector<1x512xf32>
      %get3A_116 = arith.constant 5 : index
      %get3A_117 = arith.constant 0 : index
      %get3A_118 = vector.load %arg9[%get3A_116, %get3A_117] : memref<8x512xf32, #tpu.memory_space<vmem>>, vector<1x512xf32>
      %add3A_119 = arith.addf %dot_general3A_115, %get3A_118 : vector<1x512xf32>
      %convert_element_type3A_120 = arith.fptosi %add3A_119 : vector<1x512xf32> to vector<1x512xi32>
      %swap3A_121 = arith.constant 0 : index
      %swap3A_122 = arith.constant 2560 : index
      %swap3A_123 = vector.load %arg4[%swap3A_121, %swap3A_122] : memref<1x4096xi32, #tpu.memory_space<vmem>>, vector<1x512xi32>
      tpu.vector_store %arg4[%swap3A_121, %swap3A_122], %convert_element_type3A_120 {strides = array<i32>} : memref<1x4096xi32, #tpu.memory_space<vmem>>, vector<1x512xi32>,
      %get3A_124 = arith.constant 3072 : index
      %get3A_125 = arith.constant 0 : index
      %get3A_126 = vector.load %arg8[%get3A_124, %get3A_125] : memref<4096x64xf32, #tpu.memory_space<vmem>>, vector<512x64xf32>
      %dot_general3A_127 = arith.constant dense<0.000000e+00> : vector<1x512xf32>
      %dot_general3A_128 = tpu.matmul %mul3A_45, %get3A_126, %dot_general3A_127 {dimension_numbers = #tpu.dot_dimension_numbers<[1], [1], [0], [0], [0, 0, 1, 0], [], []>, transpose_lhs_hint = false} : vector<1x64xf32>, vector<512x64xf32>, vector<1x512xf32> -> vector<1x512xf32>
      %get3A_129 = arith.constant 6 : index
      %get3A_130 = arith.constant 0 : index
      %get3A_131 = vector.load %arg9[%get3A_129, %get3A_130] : memref<8x512xf32, #tpu.memory_space<vmem>>, vector<1x512xf32>
      %add3A_132 = arith.addf %dot_general3A_128, %get3A_131 : vector<1x512xf32>
      %convert_element_type3A_133 = arith.fptosi %add3A_132 : vector<1x512xf32> to vector<1x512xi32>
      %swap3A_134 = arith.constant 0 : index
      %swap3A_135 = arith.constant 3072 : index
      %swap3A_136 = vector.load %arg4[%swap3A_134, %swap3A_135] : memref<1x4096xi32, #tpu.memory_space<vmem>>, vector<1x512xi32>
      tpu.vector_store %arg4[%swap3A_134, %swap3A_135], %convert_element_type3A_133 {strides = array<i32>} : memref<1x4096xi32, #tpu.memory_space<vmem>>, vector<1x512xi32>,
      %get3A_137 = arith.constant 3584 : index
      %get3A_138 = arith.constant 0 : index
      %get3A_139 = vector.load %arg8[%get3A_137, %get3A_138] : memref<4096x64xf32, #tpu.memory_space<vmem>>, vector<512x64xf32>
      %dot_general3A_140 = arith.constant dense<0.000000e+00> : vector<1x512xf32>
      %dot_general3A_141 = tpu.matmul %mul3A_45, %get3A_139, %dot_general3A_140 {dimension_numbers = #tpu.dot_dimension_numbers<[1], [1], [0], [0], [0, 0, 1, 0], [], []>, transpose_lhs_hint = false} : vector<1x64xf32>, vector<512x64xf32>, vector<1x512xf32> -> vector<1x512xf32>
      %get3A_142 = arith.constant 7 : index
      %get3A_143 = arith.constant 0 : index
      %get3A_144 = vector.load %arg9[%get3A_142, %get3A_143] : memref<8x512xf32, #tpu.memory_space<vmem>>, vector<1x512xf32>
      %add3A_145 = arith.addf %dot_general3A_141, %get3A_144 : vector<1x512xf32>
      %convert_element_type3A_146 = arith.fptosi %add3A_145 : vector<1x512xf32> to vector<1x512xi32>
      %swap3A_147 = arith.constant 0 : index
      %swap3A_148 = arith.constant 3584 : index
      %swap3A_149 = vector.load %arg4[%swap3A_147, %swap3A_148] : memref<1x4096xi32, #tpu.memory_space<vmem>>, vector<1x512xi32>
      tpu.vector_store %arg4[%swap3A_147, %swap3A_148], %convert_element_type3A_146 {strides = array<i32>} : memref<1x4096xi32, #tpu.memory_space<vmem>>, vector<1x512xi32>,
    } else {
    }
    return
  }
  func.func @transform_0(%arg0: i32) -> (i32, i32) {
    %min3A = arith.constant 7 : i32
    %min3A_0 = arith.minsi %arg0, %min3A : i32
    %c0_i32 = arith.constant 0 : i32
    %c0_i32_1 = arith.constant 0 : i32
    return %min3A_0, %c0_i32 : i32, i32
  }
  func.func @transform_1(%arg0: i32) -> (i32, i32) {
    %c0_i32 = arith.constant 0 : i32
    %c0_i32_0 = arith.constant 0 : i32
    %c0_i32_1 = arith.constant 0 : i32
    return %c0_i32, %c0_i32_0 : i32, i32
  }
  func.func @transform_2(%arg0: i32) -> (i32, i32) {
    %c0_i32 = arith.constant 0 : i32
    %c0_i32_0 = arith.constant 0 : i32
    %c0_i32_1 = arith.constant 0 : i32
    return %c0_i32, %c0_i32_0 : i32, i32
  }
  func.func @transform_3(%arg0: i32) -> (i32, i32) {
    %c0_i32 = arith.constant 0 : i32
    %c0_i32_0 = arith.constant 0 : i32
    %c0_i32_1 = arith.constant 0 : i32
    return %c0_i32, %c0_i32_0 : i32, i32
  }
  func.func @transform_4(%arg0: i32) -> (i32, i32) {
    %c0_i32 = arith.constant 0 : i32
    %c0_i32_0 = arith.constant 0 : i32
    %c0_i32_1 = arith.constant 0 : i32
    return %c0_i32, %c0_i32_0 : i32, i32
  }
  func.func @transform_5(%arg0: i32) -> (i32, i32) {
    %c0_i32 = arith.constant 0 : i32
    %c0_i32_0 = arith.constant 0 : i32
    %c0_i32_1 = arith.constant 0 : i32
    return %c0_i32, %c0_i32_0 : i32, i32
  }
}

</mosaic_0001>

<sc_bundles>
// kernel: kernel.6.cloned.1.call-start
scs
__scs_entry_jumppad:
0x0: {  	(pc) =	sbr.rel $0x88, $3  }
0x1: {  	(tag) =	ssettag $0x0;
	lr =	simm.s32 $0x1  }
0x2: {  	[smem:$0x3F9A] =	sst lr;
	_ =	strace $0xD0000000  }
0x3: {  	_ = 	snop  }
0x4: {  	_ = 	snop  }
0x5: {  	_ = 	snop  }
0x6: {  	_ = 	snop  }
0x7: {  	_ = 	snop  }
__scs_overlays_trampoline_lowered:
0x8: {  	[smem:$0x3FA9] =	sst s0  }
0x9: {  	[smem:$0x3FAA] =	sst s1  }
0xa: {  	[smem:$0x3FAB] =	sst s2  }
0xb: {  	[smem:$0x3FAC] =	sst s3  }
0xc: {  	[smem:$0x3FAD] =	sst s4  }
0xd: {  	[smem:$0x3FAE] =	sst s5  }
0xe: {  	[smem:$0x3FAF] =	sst s6  }
0xf: {  	[smem:$0x3FB0] =	sst s7  }
0x10: {  	[smem:$0x3FB1] =	sst s8  }
0x11: {  	[smem:$0x3FB2] =	sst s9;
	s0 =	simm.s32 @!p0 $0x0  }
0x12: {  	s1 =	sld [smem:$0x3F98];
	s0 =	simm.s32 @p0 $0x1  }
0x13: {  	[smem:$0x3FB3] =	sst s0;
	s0 =	simm.s32 @!p1 $0x0  }
0x14: {  	s2 =	sld [smem:$0x3F97];
	s0 =	simm.s32 @p1 $0x1  }
0x15: {  	[smem:$0x3FB4] =	sst s0;
	s0 =	simm.s32 @!p2 $0x0  }
0x16: {  	s3 =	sld [smem:$0x3FDB];
	s0 =	simm.s32 @p2 $0x1  }
0x17: {  	s4 =	simm.s32 $0x1BF5;
	[smem:$0x3FB6] =	sst s0  }
0x18: {  	s0 =	sld [smem:$0x3F99];
	_ =	swait.ge [sflag:s4], $0x0  }
0x19: {  	s7 =	sld [smem:$0x3F9A]  }
0x1a: {  	s8 =	sadd.s32 $0xFFFFE003, lr  }
0x1b: {  	s9 =	sadd.s32 $0xFFFFFEF7, lr;
	s5 =	simm.s32 $0xFFFFFFFF;
	p2 =	slt.u32 s8, $0xFFFFF086  }
0x1c: {  	p1 =	slt.u32 s9, $0xF7A;
	s5 =	simm.s32 @!p2 $0x0  }
0x1d: {  	s5 =	simm.s32 @p1 $0x1;
	p0 =	seq.s32 s7, s2  }
0x1e: {  	s7 =	smul.u32 @!p0 $0xF7A, s2;
	p2 =	seq.s32 @!p0 s5, $0x0  }
0x1f: {  	s9 =	smul.u32 $0xF7A, s1;
	s8 =	simm.s32 @!p0 $0x1BF5;
	p2 =	por !p2, p0  }
0x20: {  	[sflag:s8] =	ssyncset.s32 @!p0 $0xFFFFF086;
	s6 =	sadd.s32 @!p0 s3, s7;
	s7 =	simm.s32 @!p0 $0x108  }
0x21: {  	s3 =	sadd.s32 s3, s9;
	s6 =	sadd.s32 @!p0 $0x88, s6;
	s7 =	simm.s32 @p2 $0x1082  }
0x22: {  	[simem:s7], [sflag:s8] =	dma.local @!p0 [hbm:s6], $0xF7A  }
0x23: {  	s9 =	sor.u32 $0xD0000000, s2;
	s6 =	simm.s32 $0x108;
	_ =	swait.ge @!p0 [sflag:s8], $0x0  }
0x24: {  	s3 =	sadd.s32 $0x88, s3;
	s6 =	simm.s32 @!p1 $0x1082;
	[sflag:s4] =	ssyncset.s32 $0xFFFFF086  }
0x25: {  	[simem:s6], [sflag:s4] =	dma.local [hbm:s3], $0xF7A  }
0x26: {  	[smem:$0x3F9A] =	sst s1;
	(tag) =	ssettag s2;
	_ =	strace s9  }
0x27: {  	s1 =	sld [smem:$0x3FAA]  }
0x28: {  	s2 =	sld [smem:$0x3FAB]  }
0x29: {  	s4 =	sld [smem:$0x3FAD]  }
0x2a: {  	p0 =	seq.s32 s5, $0x0;
	s5 =	sld [smem:$0x3FAE]  }
0x2b: {  	s6 =	sld [smem:$0x3FAF]  }
0x2c: {  	s7 =	sld [smem:$0x3FB0]  }
0x2d: {  	s3 =	simm.s32 $0x108;
	s8 =	sld [smem:$0x3FB1]  }
0x2e: {  	s3 =	simm.s32 @!p0 $0x1082;
	s9 =	sld [smem:$0x3FB2]  }
0x2f: {  	lr =	sadd.s32 s0, s3;
	s0 =	sld [smem:$0x3FA9]  }
0x30: {  	s3 =	sld [smem:$0x3FAC]  }
0x31: {  	[smem:$0x3FB5] =	sst s10  }
0x32: {  	s10 =	sld [smem:$0x3FB3];
	_ =	sdelay $0x3  }
0x33: {  	p0 =	seq.s32 s10, $0x1;
	s10 =	sld [smem:$0x3FB5];
	_ =	sdelay $0x3  }
0x34: {  	[smem:$0x3FB5] =	sst s10  }
0x35: {  	s10 =	sld [smem:$0x3FB4];
	_ =	sdelay $0x3  }
0x36: {  	p1 =	seq.s32 s10, $0x1;
	s10 =	sld [smem:$0x3FB5];
	_ =	sdelay $0x3  }
0x37: {  	[smem:$0x3FB5] =	sst s10  }
0x38: {  	s10 =	sld [smem:$0x3FB6]  }
0x39: {  	_ = 	snop;
	(pc) =	sbr.ind lr, $3  }
0x3a: {  	_ = 	snop  }
0x3b: {  	_ = 	snop  }
0x3c: {  	p2 =	seq.s32 s10, $0x1;
	s10 =	sld [smem:$0x3FB5]  }
0x3d: {  	_ =	shalt  }
0x3e: {  	_ =	shalt  }
0x3f: {  	_ =	shalt  }
0x40: {  	_ =	shalt  }
0x41: {  	_ =	shalt  }
0x42: {  	_ =	shalt  }
0x43: {  	_ =	shalt  }
0x44: {  	_ =	shalt  }
0x45: {  	_ =	shalt  }
0x46: {  	_ =	shalt  }
0x47: {  	_ =	shalt  }
0x48: {  	_ =	shalt  }
0x49: {  	_ =	shalt  }
0x4a: {  	_ =	shalt  }
0x4b: {  	_ =	shalt  }
0x4c: {  	_ =	shalt  }
0x4d: {  	_ =	shalt  }
0x4e: {  	_ =	shalt  }
0x4f: {  	_ =	shalt  }
0x50: {  	_ =	shalt  }
0x51: {  	_ =	shalt  }
0x52: {  	_ =	shalt  }
0x53: {  	_ =	shalt  }
0x54: {  	_ =	shalt  }
0x55: {  	_ =	shalt  }
0x56: {  	_ =	shalt  }
0x57: {  	_ =	shalt  }
0x58: {  	_ =	shalt  }
0x59: {  	_ =	shalt  }
0x5a: {  	_ =	shalt  }
0x5b: {  	_ =	shalt  }
0x5c: {  	_ =	shalt  }
0x5d: {  	_ =	shalt  }
0x5e: {  	_ =	shalt  }
0x5f: {  	_ =	shalt  }
0x60: {  	_ =	shalt  }
0x61: {  	_ =	shalt  }
0x62: {  	_ =	shalt  }
0x63: {  	_ =	shalt  }
0x64: {  	_ =	shalt  }
0x65: {  	_ =	shalt  }
0x66: {  	_ =	shalt  }
0x67: {  	_ =	shalt  }
0x68: {  	_ =	shalt  }
0x69: {  	_ =	shalt  }
0x6a: {  	_ =	shalt  }
0x6b: {  	_ =	shalt  }
0x6c: {  	_ =	shalt  }
0x6d: {  	_ =	shalt  }
0x6e: {  	_ =	shalt  }
0x6f: {  	_ =	shalt  }
0x70: {  	_ =	shalt  }
0x71: {  	_ =	shalt  }
0x72: {  	_ =	shalt  }
0x73: {  	_ =	shalt  }
0x74: {  	_ =	shalt  }
0x75: {  	_ =	shalt  }
0x76: {  	_ =	shalt  }
0x77: {  	_ =	shalt  }
0x78: {  	_ =	shalt  }
0x79: {  	_ =	shalt  }
0x7a: {  	_ =	shalt  }
0x7b: {  	_ =	shalt  }
0x7c: {  	_ =	shalt  }
0x7d: {  	_ =	shalt  }
0x7e: {  	_ =	shalt  }
0x7f: {  	_ =	shalt  }
0x80: {  	_ =	shalt  }
0x81: {  	_ =	shalt  }
0x82: {  	_ =	shalt  }
0x83: {  	_ =	shalt  }
0x84: {  	_ =	shalt  }
0x85: {  	_ =	shalt  }
0x86: {  	_ =	shalt  }
0x87: {  	_ =	shalt  }
.Lfunc_end0:
.L_simem_size_0:
called_computation_lowered:
.L_overlay_start_0:
0x88: {  	s2 =	sld [smem:$0x3FD9]  }
0x89: {  	s3 =	sld [smem:$0x3FFE];
	_ =	sdelay $0x1  }
0x8a: {  	s1 =	srdreg.scid  }
0x8b: {  	s0 =	sand.u32 $0x1, s1  }
0x8c: {  	s17 =	sshll.u32 s0, $0xA;
	s2 =	sadd.s32 s3, s2  }
0x8d: {  	s2 =	sadd.s32 s2, s17  }
0x8e: {  	[smem:$0x3FC1] =	sst s2  }
0x8f: {  	_ = 	snop  }
0x90: {  	s2 =	sld [smem:$0x3FC9];
	(tm) =	ssettm $0x1  }
0x91: {  	s18 =	sld [smem:$0x3FFB];
	_ =	sdelay $0x3  }
0x92: {  	_ =	strace s18  }
0x93: {  	s3 =	sld [smem:$0x3FFC];
	_ =	sdelay $0x3  }
0x94: {  	_ =	strace s3  }
0x95: {  	s3 =	sld [smem:$0x3FFD];
	_ =	sdelay $0x3  }
0x96: {  	_ =	strace s3  }
0x97: {  	_ =	strace $0x8FFFFFFF  }
0x98: {  	s19 =	sld [smem:$0x3FDB];
	_ =	sdelay $0x1  }
0x99: {  	s4 =	simm.s32 $_scs_section_size  }
0x9a: {  	s5 =	simm.s32 $_size__tile_overlayer_lowered;
	s6 =	simm.s32 $_tile_overlayer_lowered  }
0x9b: {  	s22 =	simm.s32 $0x1BFF;
	s21 =	sshll.u32 s6, $0x1;
	s3 =	sadd.s32 s4, s19  }
0x9c: {  	s7 =	simm.s32 $0x0;
	s20 =	sshll.u32 s5, $0x1;
	s5 =	sadd.s32 s21, s3  }
0x9d: {  	[timem:s7], [sflag:s22] =	dma.local [hbm:s5], s20  }
0x9e: {  	_ =	swait.ge [sflag:s22], s20  }
0x9f: {  	s4 =	ssub.s32 $0x0, s20;
	[sflag:s22] =	ssyncset.done $0x0  }
0xa0: {  	[sflag:s22] =	ssyncadd.s32 s4;
	_ =	sdelay $0x1  }
0xa1: {  	s23 =	simm.s32 $0x1B8B  }
0xa2: {  	_ =	swait.ge [sflag:s23], $0x1  }
0xa3: {  	[sflag:s23] =	ssyncset.done $0x0  }
0xa4: {  	s25 =	simm.s32 $0x1B8E;
	s24 =	sld [smem:$0x3FFE];
	[sflag:s23] =	ssyncadd.s32 $0xFFFFFFFF  }
0xa5: {  	s26 =	simm.s32 $execute0_lowered;
	[smem:$0x3FD2] =	sst s25  }
0xa6: {  	s5 =	sshll.u32 s26, $0x1;
	_ =	strace $0x80000046;
	[dreg:$0x1] =	wrdreg $0xFFFFFFFF  }
0xa7: {  	s28 =	simm.s32 $_size_execute0_lowered;
	s3 =	sadd.s32 s3, s5;
	[dreg:$0x0] =	wrdreg $0x0  }
0xa8: {  	s5 =	sshll.u32 s28, $0x1;
	[dreg:$0x2] =	wrdreg s3  }
0xa9: {  	[dreg:$0x3] =	wrdreg s5  }
0xaa: {  	[dreg:$0x4] =	wrdreg $0xC0  }
0xab: {  	_ =	task [dreg:s7], $0x5FFFF  }
0xac: {  	[dreg:$0x1] =	wrdreg $0xFFFFFFFF  }
0xad: {  	[dreg:$0x0] =	wrdreg $0x60  }
0xae: {  	[dreg:$0x2] =	wrdreg s24  }
0xaf: {  	[dreg:$0x3] =	wrdreg s2  }
0xb0: {  	[dreg:$0x4] =	wrdreg $0x9  }
0xb1: {  	_ =	task.clear_ibuf [dreg:s7], $0x5FFFF;
	_ =	strace $0x90000046  }
0xb2: {  	s29 =	simm.s32 $0x9;
	_ =	strace $0x80000048  }
0xb3: {  	_ =	swait.ge [sflag:s29], $0x1  }
0xb4: {  	[sflag:s29] =	ssyncadd.s32 $0xFFFFFFFF  }
0xb5: {  	_ =	strace $0x90000048  }
0xb6: {  	_ =	sfence  }
0xb7: {  	s30 =	sld [smem:$0x0];
	_ =	sdelay $0x2  }
0xb8: {  	s31 =	sshll.u32 s1, $0xD;
	s1 =	sshrl.u32 s1, $0x2  }
0xb9: {  	s3 =	sand.u32 $0x4000, s31;
	s1 =	sadd.s32 s1, s30  }
0xba: {  	s0 =	sor.u32 s3, s0;
	s1 =	sshll.u32 s1, $0x11  }
0xbb: {  	s0 =	sor.u32 s1, s0  }
0xbc: {  	s0 =	sadd.s32 $0x8F2B, s0  }
0xbd: {  	[sflag:s0] =	ssyncadd.remote.s32 $0x1  }
0xbe: {  	_ =	sfence.sel $0xFFFF  }
0xbf: {  	[dreg:$0x0] =	wrdreg $0xFFFFFFFF;
	(pc) =	sbr.abs _section_cstart, $3  }
0xc0: {  	[dreg:$0x1] =	wrdreg $0xFFFFFFFF  }
0xc1: {  	_ =	task.clear_ibuf [dreg:s7], $0x2FFFF;
	_ =	strace $0x9FFFFFFF  }
0xc2: {  	(tm) =	ssettm $0x7FFFFFFF  }
0xc3: {  	_ =	shalt  }
tec
execute0_lowered:
.L_overlay_start_1:
0x0: {  	(tag) =	ssettag $0x1  }
0x1: {  	s2 =	srdreg.scid;
	s1 =	rddreg [dreg:$0x0]  }
0x2: {  	s3 =	rddreg [dreg:$0x1];
	s4 =	sand.u32 $0x1, s2;
	s2 =	simm.s32 $0x0  }
0x3: {  	s22 =	simm.s32 $0x900;
	[smem:$0x7FF] =	sst s2  }
0x4: {  	s23 =	simm.s32 $0x1100;
	_ =	strace $0x80000047;
	[dreg:$0x7] =	wrdreg s22  }
0x5: {  	s24 =	simm.s32 $0x1900;
	[dreg:$0x8] =	wrdreg s23  }
0x6: {  	s25 =	simm.s32 $0x2100;
	[dreg:$0x9] =	wrdreg s24  }
0x7: {  	s0 =	stileid.u32;
	s26 =	simm.s32 $0x2900;
	[dreg:$0xa] =	wrdreg s25  }
0x8: {  	s5 =	sshll.u32 s0, $0x5;
	s0 =	simm.s32 $0x3100;
	[dreg:$0xb] =	wrdreg s26  }
0x9: {  	s9 =	simm.s32 $0x5900;
	s10 =	simm.s32 $0x6100;
	[dreg:$0xc] =	wrdreg s0  }
0xa: {  	s11 =	simm.s32 $0x6900;
	s12 =	simm.s32 $0x7100;
	[dreg:$0x11] =	wrdreg s9  }
0xb: {  	s13 =	simm.s32 $0x7900;
	s14 =	simm.s32 $0x8100;
	[dreg:$0x12] =	wrdreg s10  }
0xc: {  	s15 =	simm.s32 $0x8900;
	s16 =	simm.s32 $0x9100;
	[dreg:$0x13] =	wrdreg s11  }
0xd: {  	s17 =	simm.s32 $0x9900;
	s18 =	simm.s32 $0xA100;
	[dreg:$0x14] =	wrdreg s12  }
0xe: {  	s28 =	simm.s32 $0x16900;
	s29 =	simm.s32 $0x17100;
	[dreg:$0x15] =	wrdreg s13  }
0xf: {  	s30 =	simm.s32 $0x17900;
	s31 =	simm.s32 $0x1;
	[dreg:$0x16] =	wrdreg s14  }
0x10: {  	s20 =	sadd.s32 $0x1600, s1;
	s6 =	sshll.u32 s4, $0x4;
	[dreg:$0x17] =	wrdreg s15  }
0x11: {  	s4 =	ssub.s32 $0x2, s4;
	s5 =	sor.u32 s6, s5;
	[dreg:$0x18] =	wrdreg s16  }
0x12: {  	s6 =	simm.s32 $0x4100;
	[dreg:$0x19] =	wrdreg s17;
	s19 =	sshrl.u32 s4, $0x1  }
0x13: {  	[dreg:$0x1a] =	wrdreg s18;
	s22 =	simm.s32 $0xB900;
	s23 =	simm.s32 $0x80  }
0x14: {  	s24 =	simm.s32 $0xC900;
	s25 =	simm.s32 $0xD100;
	s26 =	simm.s32 $0xD900  }
0x15: {  	s9 =	simm.s32 $0xC100;
	s12 =	simm.s32 $0xF100;
	s13 =	simm.s32 $0xF900  }
0x16: {  	s14 =	simm.s32 $0x10100;
	s15 =	simm.s32 $0x10900;
	[dreg:$0xe] =	wrdreg s6  }
0x17: {  	s16 =	simm.s32 $0x11100;
	s17 =	simm.s32 $0x11900;
	[dreg:$0x1d] =	wrdreg s22  }
0x18: {  	s18 =	simm.s32 $0x12100;
	s7 =	smul.u32 $0x300, s5;
	[dreg:$0x1e] =	wrdreg s23  }
0x19: {  	s8 =	sadd.s32 s20, s5;
	s5 =	sor.u32 $0x8, s5;
	[dreg:$0x1f] =	wrdreg s24  }
0x1a: {  	s6 =	ssub.s32 s4, s19;
	s4 =	sadd.s32 $0x1900, s1;
	[smem:$0x7FC] =	sst s25  }
0x1b: {  	[smem:$0x7FD] =	sst s26;
	s19 =	simm.s32 $0x12900;
	s22 =	simm.s32 $0x14100  }
0x1c: {  	[dreg:$0x3] =	wrdreg s8;
	s21 =	smul.u32 $0x300, s5;
	s5 =	sadd.s32 s20, s5  }
0x1d: {  	s23 =	simm.s32 $0x14900;
	s8 =	simm.s32 $0x5100;
	[dreg:$0x5] =	wrdreg s5  }
0x1e: {  	s24 =	simm.s32 $0x15100;
	s20 =	simm.s32 $0xA900;
	[dreg:$0x10] =	wrdreg s8  }
0x1f: {  	s25 =	simm.s32 $0x15900;
	s7 =	sadd.s32 s3, s7;
	[dreg:$0x1b] =	wrdreg s20  }
0x20: {  	s26 =	simm.s32 $0x16100;
	s5 =	simm.s32 $0x3900;
	[dreg:$0x4] =	wrdreg s7  }
0x21: {  	s6 =	smax.u32 s6, $0x1;
	s3 =	sadd.s32 s3, s21;
	[dreg:$0xd] =	wrdreg s5  }
0x22: {  	s8 =	simm.s32 $0x100;
	s7 =	simm.s32 $0x4900;
	[dreg:$0x6] =	wrdreg s3  }
0x23: {  	v2 =	vlaneseq.u32;
	s20 =	simm.s32 $0x13100;
	s21 =	simm.s32 $0xB100;
	[dreg:$0xf] =	wrdreg s7  }
0x24: {  	vm0 =	vmmov $0xffff;
	v1 =	vshrl.u32 v2, $0x3;
	s5 =	sadd.s32 $0x1A00, s1;
	s3 =	sadd.s32 $0x1800, s1;
	[dreg:$0x1c] =	wrdreg s21  }
0x25: {  	v0 =	vand.u32 $0x7, v2;
	v2 =	vor.u32 $0x8, v2;
	v1 =	vmul.u32 $0x8, v1;
	s7 =	simm.s32 $0x3;
	s21 =	simm.s32 $0x13900;
	s1 =	simm.s32 $0x2  }
.LBB2_1:
0x26: {  	s0 =	rddreg [dreg:$0x3]  }
0x27: {  	[tilespmem:s2], [sflag:$0x3] =	stream.linear.gather [hbm4b:s0+s2], $0x40, $0x38;
	[tilespmem:$0x18100] =	vst v63  }
0x28: {  	_ =	swait.ge [sflag:s7], $0x40  }
0x29: {  	[sflag:s7] =	ssyncset.done $0x0  }
0x2a: {  	s10 =	rddreg [dreg:$0x4];
	[sflag:s7] =	ssyncadd.s32 $0xFFFFFFC0  }
0x2b: {  	[tilespmem:s8], [sflag:$0x3] =	stream.linear.gather [hbm4b:s10+s2], $0xC000, $0x38;
	[tilespmem:$0x18100] =	vst v63  }
0x2c: {  	_ =	swait.ge [sflag:s7], $0xC000  }
0x2d: {  	[sflag:s7] =	ssyncset.done $0x0  }
0x2e: {  	[sflag:s7] =	ssyncadd.s32 $0xFFFF4000  }
0x2f: {  	v3 =	vld [tilespmem:$0x0];
	_ =	sdelay $0x4  }
0x30: {  	v4 =	vshrl.u32 v3, $0x3  }
0x31: {  	v4 =	vmul.u32 $0x30, v4  }
0x32: {  	v3 =	vand.u32 $0x7, v3  }
0x33: {  	v3 =	vor.u32 v3, v4  }
0x34: {  	v4 =	vperm.xlane v3, v0;
	_ =	sdelay $0x1  }
0x35: {  	v4 =	vadd.s32 v1, v4;
	_ =	sdelay $0x3  }
0x36: {  	v3 =	vperm.xlane v3, v2  }
0x37: {  	[hbm4b:s3+s2] =	stream.indirect_vreg.scatter [tilespmem:s8], [sflag:$0x1], $0x80, v4, vm0, $0xb8;
	[tilespmem:$0x18100] =	vst v63  }
0x38: {  	s11 =	rddreg [dreg:$0x7];
	v3 =	vadd.s32 v1, v3  }
0x39: {  	[hbm4b:s4+s2] =	stream.indirect_vreg.scatter [tilespmem:s11], [sflag:$0x1], $0x80, v4, vm0, $0xb8;
	[tilespmem:$0x18100] =	vst v63  }
0x3a: {  	s10 =	rddreg [dreg:$0x8]  }
0x3b: {  	[hbm4b:s5+s2] =	stream.indirect_vreg.scatter [tilespmem:s10], [sflag:$0x1], $0x80, v4, vm0, $0xb8;
	[tilespmem:$0x18100] =	vst v63  }
0x3c: {  	s11 =	rddreg [dreg:$0x9]  }
0x3d: {  	[hbm4b:s3+s2] =	stream.indirect_vreg.scatter [tilespmem:s11], [sflag:$0x1], $0x80, v3, vm0, $0xb8;
	[tilespmem:$0x18100] =	vst v63  }
0x3e: {  	s10 =	rddreg [dreg:$0xa]  }
0x3f: {  	[hbm4b:s4+s2] =	stream.indirect_vreg.scatter [tilespmem:s10], [sflag:$0x1], $0x80, v3, vm0, $0xb8;
	[tilespmem:$0x18100] =	vst v63  }
0x40: {  	s11 =	rddreg [dreg:$0xb]  }
0x41: {  	[hbm4b:s5+s2] =	stream.indirect_vreg.scatter [tilespmem:s11], [sflag:$0x1], $0x80, v3, vm0, $0xb8;
	[tilespmem:$0x18100] =	vst v63  }
0x42: {  	v3 =	vld [tilespmem:$0x10];
	_ =	sdelay $0x4  }
0x43: {  	v57 =	vshrl.u32 v3, $0x3  }
0x44: {  	v4 =	vmul.u32 $0x30, v57  }
0x45: {  	v3 =	vand.u32 $0x7, v3  }
0x46: {  	v3 =	vor.u32 v3, v4  }
0x47: {  	v4 =	vperm.xlane v3, v0;
	_ =	sdelay $0x1  }
0x48: {  	v4 =	vadd.s32 v1, v4;
	_ =	sdelay $0x3  }
0x49: {  	s10 =	rddreg [dreg:$0xc];
	v3 =	vperm.xlane v3, v2  }
0x4a: {  	[hbm4b:s3+s2] =	stream.indirect_vreg.scatter [tilespmem:s10], [sflag:$0x1], $0x80, v4, vm0, $0xb8;
	[tilespmem:$0x18100] =	vst v63  }
0x4b: {  	s11 =	rddreg [dreg:$0xd];
	v3 =	vadd.s32 v1, v3  }
0x4c: {  	[hbm4b:s4+s2] =	stream.indirect_vreg.scatter [tilespmem:s11], [sflag:$0x1], $0x80, v4, vm0, $0xb8;
	[tilespmem:$0x18100] =	vst v63  }
0x4d: {  	s0 =	rddreg [dreg:$0xe]  }
0x4e: {  	[hbm4b:s5+s2] =	stream.indirect_vreg.scatter [tilespmem:s0], [sflag:$0x1], $0x80, v4, vm0, $0xb8;
	[tilespmem:$0x18100] =	vst v63  }
0x4f: {  	s11 =	rddreg [dreg:$0xf]  }
0x50: {  	[hbm4b:s3+s2] =	stream.indirect_vreg.scatter [tilespmem:s11], [sflag:$0x1], $0x80, v3, vm0, $0xb8;
	[tilespmem:$0x18100] =	vst v63  }
0x51: {  	s0 =	rddreg [dreg:$0x10]  }
0x52: {  	[hbm4b:s4+s2] =	stream.indirect_vreg.scatter [tilespmem:s0], [sflag:$0x1], $0x80, v3, vm0, $0xb8;
	[tilespmem:$0x18100] =	vst v63  }
0x53: {  	s11 =	rddreg [dreg:$0x11]  }
0x54: {  	[hbm4b:s5+s2] =	stream.indirect_vreg.scatter [tilespmem:s11], [sflag:$0x1], $0x80, v3, vm0, $0xb8;
	[tilespmem:$0x18100] =	vst v63  }
0x55: {  	v3 =	vld [tilespmem:$0x20];
	_ =	sdelay $0x4  }
0x56: {  	v58 =	vshrl.u32 v3, $0x3  }
0x57: {  	v4 =	vmul.u32 $0x30, v58  }
0x58: {  	v3 =	vand.u32 $0x7, v3  }
0x59: {  	v3 =	vor.u32 v3, v4  }
0x5a: {  	v4 =	vperm.xlane v3, v0;
	_ =	sdelay $0x1  }
0x5b: {  	v4 =	vadd.s32 v1, v4;
	_ =	sdelay $0x3  }
0x5c: {  	s10 =	rddreg [dreg:$0x12];
	v3 =	vperm.xlane v3, v2  }
0x5d: {  	[hbm4b:s3+s2] =	stream.indirect_vreg.scatter [tilespmem:s10], [sflag:$0x1], $0x80, v4, vm0, $0xb8;
	[tilespmem:$0x18100] =	vst v63  }
0x5e: {  	s11 =	rddreg [dreg:$0x13];
	v3 =	vadd.s32 v1, v3  }
0x5f: {  	[hbm4b:s4+s2] =	stream.indirect_vreg.scatter [tilespmem:s11], [sflag:$0x1], $0x80, v4, vm0, $0xb8;
	[tilespmem:$0x18100] =	vst v63  }
0x60: {  	s0 =	rddreg [dreg:$0x14]  }
0x61: {  	[hbm4b:s5+s2] =	stream.indirect_vreg.scatter [tilespmem:s0], [sflag:$0x1], $0x80, v4, vm0, $0xb8;
	[tilespmem:$0x18100] =	vst v63  }
0x62: {  	s11 =	rddreg [dreg:$0x15]  }
0x63: {  	[hbm4b:s3+s2] =	stream.indirect_vreg.scatter [tilespmem:s11], [sflag:$0x1], $0x80, v3, vm0, $0xb8;
	[tilespmem:$0x18100] =	vst v63  }
0x64: {  	s0 =	rddreg [dreg:$0x16]  }
0x65: {  	[hbm4b:s4+s2] =	stream.indirect_vreg.scatter [tilespmem:s0], [sflag:$0x1], $0x80, v3, vm0, $0xb8;
	[tilespmem:$0x18100] =	vst v63  }
0x66: {  	s11 =	rddreg [dreg:$0x17]  }
0x67: {  	[hbm4b:s5+s2] =	stream.indirect_vreg.scatter [tilespmem:s11], [sflag:$0x1], $0x80, v3, vm0, $0xb8;
	[tilespmem:$0x18100] =	vst v63  }
0x68: {  	v3 =	vld [tilespmem:$0x30];
	_ =	sdelay $0x4  }
0x69: {  	v59 =	vshrl.u32 v3, $0x3  }
0x6a: {  	v4 =	vmul.u32 $0x30, v59  }
0x6b: {  	v3 =	vand.u32 $0x7, v3  }
0x6c: {  	v3 =	vor.u32 v3, v4  }
0x6d: {  	v4 =	vperm.xlane v3, v0;
	_ =	sdelay $0x1  }
0x6e: {  	v4 =	vadd.s32 v1, v4;
	_ =	sdelay $0x2  }
0x6f: {  	s10 =	rddreg [dreg:$0x19]  }
0x70: {  	s11 =	rddreg [dreg:$0x18];
	v3 =	vperm.xlane v3, v2  }
0x71: {  	[hbm4b:s3+s2] =	stream.indirect_vreg.scatter [tilespmem:s11], [sflag:$0x1], $0x80, v4, vm0, $0xb8;
	[tilespmem:$0x18100] =	vst v63  }
0x72: {  	s0 =	rddreg [dreg:$0x1d];
	v3 =	vadd.s32 v1, v3  }
0x73: {  	[hbm4b:s4+s2] =	stream.indirect_vreg.scatter [tilespmem:s10], [sflag:$0x1], $0x80, v4, vm0, $0xb8;
	[tilespmem:$0x18100] =	vst v63  }
0x74: {  	s11 =	rddreg [dreg:$0x1a]  }
0x75: {  	[hbm4b:s5+s2] =	stream.indirect_vreg.scatter [tilespmem:s11], [sflag:$0x1], $0x80, v4, vm0, $0xb8;
	[tilespmem:$0x18100] =	vst v63  }
0x76: {  	s10 =	rddreg [dreg:$0x1b]  }
0x77: {  	[hbm4b:s3+s2] =	stream.indirect_vreg.scatter [tilespmem:s10], [sflag:$0x1], $0x80, v3, vm0, $0xb8;
	[tilespmem:$0x18100] =	vst v63  }
0x78: {  	s11 =	rddreg [dreg:$0x1c]  }
0x79: {  	[hbm4b:s4+s2] =	stream.indirect_vreg.scatter [tilespmem:s11], [sflag:$0x1], $0x80, v3, vm0, $0xb8;
	[tilespmem:$0x18100] =	vst v63  }
0x7a: {  	s10 =	rddreg [dreg:$0x5]  }
0x7b: {  	[hbm4b:s5+s2] =	stream.indirect_vreg.scatter [tilespmem:s0], [sflag:$0x1], $0x80, v3, vm0, $0xb8;
	[tilespmem:$0x18100] =	vst v63  }
0x7c: {  	s11 =	rddreg [dreg:$0x1e]  }
0x7d: {  	[tilespmem:s11], [sflag:$0x3] =	stream.linear.gather [hbm4b:s10+s2], $0x40, $0x38;
	[tilespmem:$0x18100] =	vst v63  }
0x7e: {  	_ =	swait.ge [sflag:s7], $0x40  }
0x7f: {  	[sflag:s7] =	ssyncset.done $0x0  }
0x80: {  	s10 =	rddreg [dreg:$0x6];
	[sflag:s7] =	ssyncadd.s32 $0xFFFFFFC0  }
0x81: {  	[tilespmem:s9], [sflag:$0x3] =	stream.linear.gather [hbm4b:s10+s2], $0xC000, $0x38;
	[tilespmem:$0x18100] =	vst v63  }
0x82: {  	_ =	swait.ge [sflag:s7], $0xC000  }
0x83: {  	[sflag:s7] =	ssyncset.done $0x0  }
0x84: {  	[sflag:s7] =	ssyncadd.s32 $0xFFFF4000  }
0x85: {  	v3 =	vld [tilespmem:$0x80];
	_ =	sdelay $0x4  }
0x86: {  	v60 =	vshrl.u32 v3, $0x3  }
0x87: {  	v4 =	vmul.u32 $0x30, v60  }
0x88: {  	v3 =	vand.u32 $0x7, v3  }
0x89: {  	v3 =	vor.u32 v3, v4  }
0x8a: {  	v4 =	vperm.xlane v3, v0;
	_ =	sdelay $0x1  }
0x8b: {  	v4 =	vadd.s32 v1, v4;
	_ =	sdelay $0x3  }
0x8c: {  	s11 =	rddreg [dreg:$0x1f];
	v3 =	vperm.xlane v3, v2  }
0x8d: {  	[hbm4b:s3+s2] =	stream.indirect_vreg.scatter [tilespmem:s9], [sflag:$0x2], $0x80, v4, vm0, $0xb8;
	[tilespmem:$0x18100] =	vst v63  }
0x8e: {  	s10 =	sld [smem:$0x7FC];
	v3 =	vadd.s32 v1, v3  }
0x8f: {  	[hbm4b:s4+s2] =	stream.indirect_vreg.scatter [tilespmem:s11], [sflag:$0x2], $0x80, v4, vm0, $0xb8;
	[tilespmem:$0x18100] =	vst v63  }
0x90: {  	s11 =	sld [smem:$0x7FD]  }
0x91: {  	[hbm4b:s5+s2] =	stream.indirect_vreg.scatter [tilespmem:s10], [sflag:$0x2], $0x80, v4, vm0, $0xb8;
	[tilespmem:$0x18100] =	vst v63  }
0x92: {  	_ = 	snop  }
0x93: {  	[hbm4b:s3+s2] =	stream.indirect_vreg.scatter [tilespmem:s11], [sflag:$0x2], $0x80, v3, vm0, $0xb8;
	[tilespmem:$0x18100] =	vst v63  }
0x94: {  	s10 =	simm.s32 $0xE100  }
0x95: {  	[hbm4b:s4+s2] =	stream.indirect_vreg.scatter [tilespmem:s10], [sflag:$0x2], $0x80, v3, vm0, $0xb8;
	[tilespmem:$0x18100] =	vst v63  }
0x96: {  	s11 =	simm.s32 $0xE900  }
0x97: {  	[hbm4b:s5+s2] =	stream.indirect_vreg.scatter [tilespmem:s11], [sflag:$0x2], $0x80, v3, vm0, $0xb8;
	[tilespmem:$0x18100] =	vst v63  }
0x98: {  	v3 =	vld [tilespmem:$0x90];
	_ =	sdelay $0x4  }
0x99: {  	v61 =	vshrl.u32 v3, $0x3  }
0x9a: {  	v4 =	vmul.u32 $0x30, v61  }
0x9b: {  	v3 =	vand.u32 $0x7, v3  }
0x9c: {  	v3 =	vor.u32 v3, v4  }
0x9d: {  	v4 =	vperm.xlane v3, v0;
	_ =	sdelay $0x1  }
0x9e: {  	v4 =	vadd.s32 v1, v4;
	_ =	sdelay $0x3  }
0x9f: {  	v3 =	vperm.xlane v3, v2  }
0xa0: {  	[hbm4b:s3+s2] =	stream.indirect_vreg.scatter [tilespmem:s12], [sflag:$0x2], $0x80, v4, vm0, $0xb8;
	[tilespmem:$0x18100] =	vst v63  }
0xa1: {  	v3 =	vadd.s32 v1, v3  }
0xa2: {  	[hbm4b:s4+s2] =	stream.indirect_vreg.scatter [tilespmem:s13], [sflag:$0x2], $0x80, v4, vm0, $0xb8;
	[tilespmem:$0x18100] =	vst v63  }
0xa3: {  	_ = 	snop  }
0xa4: {  	[hbm4b:s5+s2] =	stream.indirect_vreg.scatter [tilespmem:s14], [sflag:$0x2], $0x80, v4, vm0, $0xb8;
	[tilespmem:$0x18100] =	vst v63  }
0xa5: {  	_ = 	snop  }
0xa6: {  	[hbm4b:s3+s2] =	stream.indirect_vreg.scatter [tilespmem:s15], [sflag:$0x2], $0x80, v3, vm0, $0xb8;
	[tilespmem:$0x18100] =	vst v63  }
0xa7: {  	_ = 	snop  }
0xa8: {  	[hbm4b:s4+s2] =	stream.indirect_vreg.scatter [tilespmem:s16], [sflag:$0x2], $0x80, v3, vm0, $0xb8;
	[tilespmem:$0x18100] =	vst v63  }
0xa9: {  	_ = 	snop  }
0xaa: {  	[hbm4b:s5+s2] =	stream.indirect_vreg.scatter [tilespmem:s17], [sflag:$0x2], $0x80, v3, vm0, $0xb8;
	[tilespmem:$0x18100] =	vst v63  }
0xab: {  	v3 =	vld [tilespmem:$0xA0];
	_ =	sdelay $0x4  }
0xac: {  	v62 =	vshrl.u32 v3, $0x3  }
0xad: {  	v4 =	vmul.u32 $0x30, v62  }
0xae: {  	v3 =	vand.u32 $0x7, v3  }
0xaf: {  	v3 =	vor.u32 v3, v4  }
0xb0: {  	v4 =	vperm.xlane v3, v0;
	_ =	sdelay $0x1  }
0xb1: {  	v4 =	vadd.s32 v1, v4;
	_ =	sdelay $0x3  }
0xb2: {  	v3 =	vperm.xlane v3, v2  }
0xb3: {  	[hbm4b:s3+s2] =	stream.indirect_vreg.scatter [tilespmem:s18], [sflag:$0x2], $0x80, v4, vm0, $0xb8;
	[tilespmem:$0x18100] =	vst v63  }
0xb4: {  	v3 =	vadd.s32 v1, v3  }
0xb5: {  	[hbm4b:s4+s2] =	stream.indirect_vreg.scatter [tilespmem:s19], [sflag:$0x2], $0x80, v4, vm0, $0xb8;
	[tilespmem:$0x18100] =	vst v63  }
0xb6: {  	_ = 	snop  }
0xb7: {  	[hbm4b:s5+s2] =	stream.indirect_vreg.scatter [tilespmem:s20], [sflag:$0x2], $0x80, v4, vm0, $0xb8;
	[tilespmem:$0x18100] =	vst v63  }
0xb8: {  	_ = 	snop  }
0xb9: {  	[hbm4b:s3+s2] =	stream.indirect_vreg.scatter [tilespmem:s21], [sflag:$0x2], $0x80, v3, vm0, $0xb8;
	[tilespmem:$0x18100] =	vst v63  }
0xba: {  	_ = 	snop  }
0xbb: {  	[hbm4b:s4+s2] =	stream.indirect_vreg.scatter [tilespmem:s22], [sflag:$0x2], $0x80, v3, vm0, $0xb8;
	[tilespmem:$0x18100] =	vst v63  }
0xbc: {  	_ = 	snop  }
0xbd: {  	[hbm4b:s5+s2] =	stream.indirect_vreg.scatter [tilespmem:s23], [sflag:$0x2], $0x80, v3, vm0, $0xb8;
	[tilespmem:$0x18100] =	vst v63  }
0xbe: {  	v3 =	vld [tilespmem:$0xB0];
	_ =	sdelay $0x4  }
0xbf: {  	v63 =	vshrl.u32 v3, $0x3  }
0xc0: {  	v4 =	vmul.u32 $0x30, v63  }
0xc1: {  	v3 =	vand.u32 $0x7, v3  }
0xc2: {  	v3 =	vor.u32 v3, v4  }
0xc3: {  	v4 =	vperm.xlane v3, v0;
	_ =	sdelay $0x1  }
0xc4: {  	v4 =	vadd.s32 v1, v4;
	_ =	sdelay $0x3  }
0xc5: {  	v3 =	vperm.xlane v3, v2  }
0xc6: {  	[hbm4b:s3+s2] =	stream.indirect_vreg.scatter [tilespmem:s24], [sflag:$0x2], $0x80, v4, vm0, $0xb8;
	[tilespmem:$0x18100] =	vst v63  }
0xc7: {  	v3 =	vadd.s32 v1, v3  }
0xc8: {  	[hbm4b:s4+s2] =	stream.indirect_vreg.scatter [tilespmem:s25], [sflag:$0x2], $0x80, v4, vm0, $0xb8;
	[tilespmem:$0x18100] =	vst v63  }
0xc9: {  	_ = 	snop  }
0xca: {  	[hbm4b:s5+s2] =	stream.indirect_vreg.scatter [tilespmem:s26], [sflag:$0x2], $0x80, v4, vm0, $0xb8;
	[tilespmem:$0x18100] =	vst v63  }
0xcb: {  	_ = 	snop  }
0xcc: {  	[hbm4b:s3+s2] =	stream.indirect_vreg.scatter [tilespmem:s28], [sflag:$0x2], $0x80, v3, vm0, $0xb8;
	[tilespmem:$0x18100] =	vst v63  }
0xcd: {  	_ = 	snop  }
0xce: {  	[hbm4b:s4+s2] =	stream.indirect_vreg.scatter [tilespmem:s29], [sflag:$0x2], $0x80, v3, vm0, $0xb8;
	[tilespmem:$0x18100] =	vst v63  }
0xcf: {  	_ = 	snop  }
0xd0: {  	[hbm4b:s5+s2] =	stream.indirect_vreg.scatter [tilespmem:s30], [sflag:$0x2], $0x80, v3, vm0, $0xb8;
	[tilespmem:$0x18100] =	vst v63  }
0xd1: {  	p0 =	sne.s32 s6, $0x1;
	_ =	swait.ge [sflag:s31], $0xC000  }
.Ltmp0:
0xd2: {  	[sflag:s31] =	ssyncset.done $0x0;
	(pc) =	sbr.rel @p0 .LBB2_1-.Ltmp0, $4  }
0xd3: {  	[sflag:s31] =	ssyncadd.s32 $0xFFFF4000  }
0xd4: {  	_ =	swait.ge [sflag:s1], $0xC000  }
0xd5: {  	[sflag:s1] =	ssyncset.done $0x0  }
0xd6: {  	s6 =	sadd.s32 $0xFFFFFFFF, s6;
	[sflag:s1] =	ssyncadd.s32 $0xFFFF4000  }
0xd7: {  	_ =	sfence.sel $0x180000  }
0xd8: {  	[bflag:$0x0] =	sbarrier.arrive $0xFFFF  }
0xd9: {  	_ =	strace $0x90000047  }
0xda: {  	s0 =	stileid.u32;
	[bflag:$0x2] =	sbarrier.arrive $0xFFFF  }
0xdb: {  	p0 =	sne.s32 s0, $0x0;
	s0 =	rddreg [dreg:$0x2]  }
0xdc: {  	s0 =	sadd.s32 @!p0 $0x100000, s0  }
0xdd: {  	[sflag:s0] =	ssyncadd.tile.s32 @!p0 $0x1;
	_ =	shalt  }
.Lfunc_end2:
_tile_overlayer_lowered:
.L_overlay_start_2:
0xde: {  	(tag) =	ssettag $0x2  }
0xdf: {  	s0 =	rddreg [dreg:$0x0];
	s2 =	stileid.u32  }
0xe0: {  	s1 =	rddreg [dreg:$0x1];
	p0 =	sne.s32 s2, $0x0  }
0xe1: {  	s3 =	rddreg [dreg:$0x2];
	[bflag:$0x3] =	sbarrier.arrive $0xFFFF;
	s2 =	simm.s32 @!p0 $0x1C03  }
0xe2: {  	[timem:s3], [sflag:s2] =	dma.local @!p0 [hbm:s0], s1  }
0xe3: {  	s0 =	simm.s32 @!p0 $0x3  }
0xe4: {  	_ =	swait.ge @!p0 [sflag:s0], s1  }
0xe5: {  	s1 =	ssub.s32 @!p0 $0x0, s1;
	[sflag:s0] =	ssyncset.done @!p0 $0x0  }
0xe6: {  	[sflag:s0] =	ssyncadd.s32 @!p0 s1  }
0xe7: {  	[bflag:$0x3] =	sbarrier.arrive $0xFFFF  }
0xe8: {  	_ =	shalt  }

// kernel: kernel.9.cloned.1.call-start
scs
__scs_entry_jumppad:
0x0: {  	(pc) =	sbr.rel $0x88, $3  }
0x1: {  	(tag) =	ssettag $0x0;
	lr =	simm.s32 $0x1  }
0x2: {  	[smem:$0x3F9A] =	sst lr;
	_ =	strace $0xD0000000  }
0x3: {  	_ = 	snop  }
0x4: {  	_ = 	snop  }
0x5: {  	_ = 	snop  }
0x6: {  	_ = 	snop  }
0x7: {  	_ = 	snop  }
__scs_overlays_trampoline_lowered:
0x8: {  	[smem:$0x3FA9] =	sst s0  }
0x9: {  	[smem:$0x3FAA] =	sst s1  }
0xa: {  	[smem:$0x3FAB] =	sst s2  }
0xb: {  	[smem:$0x3FAC] =	sst s3  }
0xc: {  	[smem:$0x3FAD] =	sst s4  }
0xd: {  	[smem:$0x3FAE] =	sst s5  }
0xe: {  	[smem:$0x3FAF] =	sst s6  }
0xf: {  	[smem:$0x3FB0] =	sst s7  }
0x10: {  	[smem:$0x3FB1] =	sst s8  }
0x11: {  	[smem:$0x3FB2] =	sst s9;
	s0 =	simm.s32 @!p0 $0x0  }
0x12: {  	s1 =	sld [smem:$0x3F98];
	s0 =	simm.s32 @p0 $0x1  }
0x13: {  	[smem:$0x3FB3] =	sst s0;
	s0 =	simm.s32 @!p1 $0x0  }
0x14: {  	s2 =	sld [smem:$0x3F97];
	s0 =	simm.s32 @p1 $0x1  }
0x15: {  	[smem:$0x3FB4] =	sst s0;
	s0 =	simm.s32 @!p2 $0x0  }
0x16: {  	s3 =	sld [smem:$0x3FDB];
	s0 =	simm.s32 @p2 $0x1  }
0x17: {  	s4 =	simm.s32 $0x1BF5;
	[smem:$0x3FB6] =	sst s0  }
0x18: {  	s0 =	sld [smem:$0x3F99];
	_ =	swait.ge [sflag:s4], $0x0  }
0x19: {  	s7 =	sld [smem:$0x3F9A]  }
0x1a: {  	s8 =	sadd.s32 $0xFFFFE003, lr  }
0x1b: {  	s9 =	sadd.s32 $0xFFFFFEF7, lr;
	s5 =	simm.s32 $0xFFFFFFFF;
	p2 =	slt.u32 s8, $0xFFFFF086  }
0x1c: {  	p1 =	slt.u32 s9, $0xF7A;
	s5 =	simm.s32 @!p2 $0x0  }
0x1d: {  	s5 =	simm.s32 @p1 $0x1;
	p0 =	seq.s32 s7, s2  }
0x1e: {  	s7 =	smul.u32 @!p0 $0xF7A, s2;
	p2 =	seq.s32 @!p0 s5, $0x0  }
0x1f: {  	s9 =	smul.u32 $0xF7A, s1;
	s8 =	simm.s32 @!p0 $0x1BF5;
	p2 =	por !p2, p0  }
0x20: {  	[sflag:s8] =	ssyncset.s32 @!p0 $0xFFFFF086;
	s6 =	sadd.s32 @!p0 s3, s7;
	s7 =	simm.s32 @!p0 $0x108  }
0x21: {  	s3 =	sadd.s32 s3, s9;
	s6 =	sadd.s32 @!p0 $0x88, s6;
	s7 =	simm.s32 @p2 $0x1082  }
0x22: {  	[simem:s7], [sflag:s8] =	dma.local @!p0 [hbm:s6], $0xF7A  }
0x23: {  	s9 =	sor.u32 $0xD0000000, s2;
	s6 =	simm.s32 $0x108;
	_ =	swait.ge @!p0 [sflag:s8], $0x0  }
0x24: {  	s3 =	sadd.s32 $0x88, s3;
	s6 =	simm.s32 @!p1 $0x1082;
	[sflag:s4] =	ssyncset.s32 $0xFFFFF086  }
0x25: {  	[simem:s6], [sflag:s4] =	dma.local [hbm:s3], $0xF7A  }
0x26: {  	[smem:$0x3F9A] =	sst s1;
	(tag) =	ssettag s2;
	_ =	strace s9  }
0x27: {  	s1 =	sld [smem:$0x3FAA]  }
0x28: {  	s2 =	sld [smem:$0x3FAB]  }
0x29: {  	s4 =	sld [smem:$0x3FAD]  }
0x2a: {  	p0 =	seq.s32 s5, $0x0;
	s5 =	sld [smem:$0x3FAE]  }
0x2b: {  	s6 =	sld [smem:$0x3FAF]  }
0x2c: {  	s7 =	sld [smem:$0x3FB0]  }
0x2d: {  	s3 =	simm.s32 $0x108;
	s8 =	sld [smem:$0x3FB1]  }
0x2e: {  	s3 =	simm.s32 @!p0 $0x1082;
	s9 =	sld [smem:$0x3FB2]  }
0x2f: {  	lr =	sadd.s32 s0, s3;
	s0 =	sld [smem:$0x3FA9]  }
0x30: {  	s3 =	sld [smem:$0x3FAC]  }
0x31: {  	[smem:$0x3FB5] =	sst s10  }
0x32: {  	s10 =	sld [smem:$0x3FB3];
	_ =	sdelay $0x3  }
0x33: {  	p0 =	seq.s32 s10, $0x1;
	s10 =	sld [smem:$0x3FB5];
	_ =	sdelay $0x3  }
0x34: {  	[smem:$0x3FB5] =	sst s10  }
0x35: {  	s10 =	sld [smem:$0x3FB4];
	_ =	sdelay $0x3  }
0x36: {  	p1 =	seq.s32 s10, $0x1;
	s10 =	sld [smem:$0x3FB5];
	_ =	sdelay $0x3  }
0x37: {  	[smem:$0x3FB5] =	sst s10  }
0x38: {  	s10 =	sld [smem:$0x3FB6]  }
0x39: {  	_ = 	snop;
	(pc) =	sbr.ind lr, $3  }
0x3a: {  	_ = 	snop  }
0x3b: {  	_ = 	snop  }
0x3c: {  	p2 =	seq.s32 s10, $0x1;
	s10 =	sld [smem:$0x3FB5]  }
0x3d: {  	_ =	shalt  }
0x3e: {  	_ =	shalt  }
0x3f: {  	_ =	shalt  }
0x40: {  	_ =	shalt  }
0x41: {  	_ =	shalt  }
0x42: {  	_ =	shalt  }
0x43: {  	_ =	shalt  }
0x44: {  	_ =	shalt  }
0x45: {  	_ =	shalt  }
0x46: {  	_ =	shalt  }
0x47: {  	_ =	shalt  }
0x48: {  	_ =	shalt  }
0x49: {  	_ =	shalt  }
0x4a: {  	_ =	shalt  }
0x4b: {  	_ =	shalt  }
0x4c: {  	_ =	shalt  }
0x4d: {  	_ =	shalt  }
0x4e: {  	_ =	shalt  }
0x4f: {  	_ =	shalt  }
0x50: {  	_ =	shalt  }
0x51: {  	_ =	shalt  }
0x52: {  	_ =	shalt  }
0x53: {  	_ =	shalt  }
0x54: {  	_ =	shalt  }
0x55: {  	_ =	shalt  }
0x56: {  	_ =	shalt  }
0x57: {  	_ =	shalt  }
0x58: {  	_ =	shalt  }
0x59: {  	_ =	shalt  }
0x5a: {  	_ =	shalt  }
0x5b: {  	_ =	shalt  }
0x5c: {  	_ =	shalt  }
0x5d: {  	_ =	shalt  }
0x5e: {  	_ =	shalt  }
0x5f: {  	_ =	shalt  }
0x60: {  	_ =	shalt  }
0x61: {  	_ =	shalt  }
0x62: {  	_ =	shalt  }
0x63: {  	_ =	shalt  }
0x64: {  	_ =	shalt  }
0x65: {  	_ =	shalt  }
0x66: {  	_ =	shalt  }
0x67: {  	_ =	shalt  }
0x68: {  	_ =	shalt  }
0x69: {  	_ =	shalt  }
0x6a: {  	_ =	shalt  }
0x6b: {  	_ =	shalt  }
0x6c: {  	_ =	shalt  }
0x6d: {  	_ =	shalt  }
0x6e: {  	_ =	shalt  }
0x6f: {  	_ =	shalt  }
0x70: {  	_ =	shalt  }
0x71: {  	_ =	shalt  }
0x72: {  	_ =	shalt  }
0x73: {  	_ =	shalt  }
0x74: {  	_ =	shalt  }
0x75: {  	_ =	shalt  }
0x76: {  	_ =	shalt  }
0x77: {  	_ =	shalt  }
0x78: {  	_ =	shalt  }
0x79: {  	_ =	shalt  }
0x7a: {  	_ =	shalt  }
0x7b: {  	_ =	shalt  }
0x7c: {  	_ =	shalt  }
0x7d: {  	_ =	shalt  }
0x7e: {  	_ =	shalt  }
0x7f: {  	_ =	shalt  }
0x80: {  	_ =	shalt  }
0x81: {  	_ =	shalt  }
0x82: {  	_ =	shalt  }
0x83: {  	_ =	shalt  }
0x84: {  	_ =	shalt  }
0x85: {  	_ =	shalt  }
0x86: {  	_ =	shalt  }
0x87: {  	_ =	shalt  }
.Lfunc_end0:
.L_simem_size_0:
called_computation.1_lowered:
.L_overlay_start_0:
0x88: {  	s2 =	sld [smem:$0x3FD9]  }
0x89: {  	s3 =	sld [smem:$0x3FFE];
	_ =	sdelay $0x1  }
0x8a: {  	s1 =	srdreg.scid  }
0x8b: {  	s0 =	sand.u32 $0x1, s1  }
0x8c: {  	s17 =	sshll.u32 s0, $0xA;
	s2 =	sadd.s32 s3, s2  }
0x8d: {  	s2 =	sadd.s32 s2, s17  }
0x8e: {  	[smem:$0x3FC1] =	sst s2  }
0x8f: {  	_ = 	snop  }
0x90: {  	s2 =	sld [smem:$0x3FD0];
	(tm) =	ssettm $0x1  }
0x91: {  	s18 =	sld [smem:$0x3FFB];
	_ =	sdelay $0x3  }
0x92: {  	_ =	strace s18  }
0x93: {  	s3 =	sld [smem:$0x3FFC];
	_ =	sdelay $0x3  }
0x94: {  	_ =	strace s3  }
0x95: {  	s3 =	sld [smem:$0x3FFD];
	_ =	sdelay $0x3  }
0x96: {  	_ =	strace s3  }
0x97: {  	_ =	strace $0x8FFFFFFF  }
0x98: {  	s19 =	sld [smem:$0x3FDB];
	_ =	sdelay $0x1  }
0x99: {  	s4 =	simm.s32 $_scs_section_size  }
0x9a: {  	s5 =	simm.s32 $_size__tile_overlayer_lowered;
	s6 =	simm.s32 $_tile_overlayer_lowered  }
0x9b: {  	s22 =	simm.s32 $0x1BFF;
	s21 =	sshll.u32 s6, $0x1;
	s3 =	sadd.s32 s4, s19  }
0x9c: {  	s7 =	simm.s32 $0x0;
	s20 =	sshll.u32 s5, $0x1;
	s5 =	sadd.s32 s21, s3  }
0x9d: {  	[timem:s7], [sflag:s22] =	dma.local [hbm:s5], s20  }
0x9e: {  	_ =	swait.ge [sflag:s22], s20  }
0x9f: {  	s4 =	ssub.s32 $0x0, s20;
	[sflag:s22] =	ssyncset.done $0x0  }
0xa0: {  	[sflag:s22] =	ssyncadd.s32 s4;
	_ =	sdelay $0x1  }
0xa1: {  	s23 =	simm.s32 $0x1B8B  }
0xa2: {  	_ =	swait.ge [sflag:s23], $0x1  }
0xa3: {  	[sflag:s23] =	ssyncset.done $0x0  }
0xa4: {  	s25 =	simm.s32 $0x1B8E;
	s24 =	sld [smem:$0x3FFE];
	[sflag:s23] =	ssyncadd.s32 $0xFFFFFFFF  }
0xa5: {  	s26 =	simm.s32 $execute0_lowered;
	[smem:$0x3FD2] =	sst s25  }
0xa6: {  	s5 =	sshll.u32 s26, $0x1;
	_ =	strace $0x80000049;
	[dreg:$0x1] =	wrdreg $0xFFFFFFFF  }
0xa7: {  	s28 =	simm.s32 $_size_execute0_lowered;
	s3 =	sadd.s32 s3, s5;
	[dreg:$0x0] =	wrdreg $0x0  }
0xa8: {  	s5 =	sshll.u32 s28, $0x1;
	[dreg:$0x2] =	wrdreg s3  }
0xa9: {  	[dreg:$0x3] =	wrdreg s5  }
0xaa: {  	[dreg:$0x4] =	wrdreg $0xC0  }
0xab: {  	_ =	task [dreg:s7], $0x5FFFF  }
0xac: {  	[dreg:$0x1] =	wrdreg $0xFFFFFFFF  }
0xad: {  	[dreg:$0x0] =	wrdreg $0x60  }
0xae: {  	[dreg:$0x2] =	wrdreg s24  }
0xaf: {  	[dreg:$0x3] =	wrdreg s2  }
0xb0: {  	[dreg:$0x4] =	wrdreg $0x9  }
0xb1: {  	_ =	task.clear_ibuf [dreg:s7], $0x5FFFF;
	_ =	strace $0x90000049  }
0xb2: {  	s29 =	simm.s32 $0x9;
	_ =	strace $0x8000004B  }
0xb3: {  	_ =	swait.ge [sflag:s29], $0x1  }
0xb4: {  	[sflag:s29] =	ssyncadd.s32 $0xFFFFFFFF  }
0xb5: {  	_ =	strace $0x9000004B  }
0xb6: {  	_ =	sfence  }
0xb7: {  	s30 =	sld [smem:$0x0];
	_ =	sdelay $0x2  }
0xb8: {  	s31 =	sshll.u32 s1, $0xD;
	s1 =	sshrl.u32 s1, $0x2  }
0xb9: {  	s3 =	sand.u32 $0x4000, s31;
	s1 =	sadd.s32 s1, s30  }
0xba: {  	s0 =	sor.u32 s3, s0;
	s1 =	sshll.u32 s1, $0x11  }
0xbb: {  	s0 =	sor.u32 s1, s0  }
0xbc: {  	s0 =	sadd.s32 $0x8F2B, s0  }
0xbd: {  	[sflag:s0] =	ssyncadd.remote.s32 $0x1  }
0xbe: {  	_ =	sfence.sel $0xFFFF  }
0xbf: {  	[dreg:$0x0] =	wrdreg $0xFFFFFFFF;
	(pc) =	sbr.abs _section_cstart, $3  }
0xc0: {  	[dreg:$0x1] =	wrdreg $0xFFFFFFFF  }
0xc1: {  	_ =	task.clear_ibuf [dreg:s7], $0x2FFFF;
	_ =	strace $0x9FFFFFFF  }
0xc2: {  	(tm) =	ssettm $0x7FFFFFFF  }
0xc3: {  	_ =	shalt  }
tec
execute0_lowered:
.L_overlay_start_1:
0x0: {  	(tag) =	ssettag $0x1  }
0x1: {  	s0 =	rddreg [dreg:$0x0]  }
0x2: {  	s3 =	rddreg [dreg:$0x1];
	s2 =	simm.s32 $0x0  }
0x3: {  	s22 =	simm.s32 $0x80;
	[smem:$0x7FF] =	sst s2  }
0x4: {  	s23 =	simm.s32 $0x900;
	_ =	strace $0x8000004A;
	[dreg:$0x7] =	wrdreg s22  }
0x5: {  	s24 =	simm.s32 $0x1100;
	[dreg:$0x8] =	wrdreg s23  }
0x6: {  	s25 =	simm.s32 $0x1900;
	[dreg:$0x9] =	wrdreg s24  }
0x7: {  	s1 =	stileid.u32;
	s26 =	simm.s32 $0x2100;
	[dreg:$0xa] =	wrdreg s25  }
0x8: {  	s5 =	sshll.u32 s1, $0x5;
	s1 =	simm.s32 $0x2900;
	[dreg:$0xb] =	wrdreg s26  }
0x9: {  	s9 =	simm.s32 $0x5100;
	[dreg:$0xc] =	wrdreg s1  }
0xa: {  	s10 =	simm.s32 $0x5900;
	[dreg:$0x11] =	wrdreg s9  }
0xb: {  	s11 =	simm.s32 $0x6100;
	[dreg:$0x12] =	wrdreg s10  }
0xc: {  	s4 =	srdreg.scid;
	s12 =	simm.s32 $0x6900;
	[dreg:$0x13] =	wrdreg s11  }
0xd: {  	s13 =	simm.s32 $0x7100;
	s14 =	simm.s32 $0x7900;
	[dreg:$0x14] =	wrdreg s12  }
0xe: {  	s15 =	simm.s32 $0x8100;
	s16 =	simm.s32 $0x8900;
	[dreg:$0x15] =	wrdreg s13  }
0xf: {  	s17 =	simm.s32 $0x9100;
	s18 =	simm.s32 $0x9900;
	[dreg:$0x16] =	wrdreg s14  }
0x10: {  	s28 =	simm.s32 $0x16900;
	s29 =	simm.s32 $0x17100;
	[dreg:$0x17] =	wrdreg s15  }
0x11: {  	s30 =	simm.s32 $0x17900;
	s31 =	simm.s32 $0x1;
	[dreg:$0x18] =	wrdreg s16  }
0x12: {  	s4 =	sand.u32 $0x1, s4;
	s7 =	sadd.s32 $0x1600, s0;
	[dreg:$0x19] =	wrdreg s17  }
0x13: {  	s6 =	sshll.u32 s4, $0x4;
	s4 =	ssub.s32 $0x2, s4;
	[dreg:$0x1a] =	wrdreg s18  }
0x14: {  	s22 =	simm.s32 $0xB100;
	s23 =	simm.s32 $0xB900;
	s24 =	simm.s32 $0xC900  }
0x15: {  	s25 =	simm.s32 $0xD100;
	s26 =	simm.s32 $0xD900;
	s9 =	simm.s32 $0xC100  }
0x16: {  	s11 =	simm.s32 $0xE900;
	s12 =	simm.s32 $0xF100;
	[dreg:$0x1d] =	wrdreg s22  }
0x17: {  	s13 =	simm.s32 $0xF900;
	s14 =	simm.s32 $0x10100;
	[dreg:$0x1e] =	wrdreg s23  }
0x18: {  	s15 =	simm.s32 $0x10900;
	s16 =	simm.s32 $0x11100;
	[dreg:$0x1f] =	wrdreg s24  }
0x19: {  	s17 =	simm.s32 $0x11900;
	s18 =	simm.s32 $0x12100;
	[smem:$0x7FC] =	sst s25  }
0x1a: {  	s5 =	sor.u32 s6, s5;
	s19 =	sshrl.u32 s4, $0x1;
	[smem:$0x7FD] =	sst s26  }
0x1b: {  	s22 =	simm.s32 $0x14100;
	s23 =	simm.s32 $0x14900;
	s24 =	simm.s32 $0x15100  }
0x1c: {  	s25 =	simm.s32 $0x15900;
	s6 =	sadd.s32 s7, s5;
	s8 =	sor.u32 $0x8, s5  }
0x1d: {  	s26 =	simm.s32 $0x16100;
	[dreg:$0x3] =	wrdreg s6;
	s20 =	sadd.s32 s7, s8  }
0x1e: {  	s5 =	smul.u32 $0x300, s5;
	s6 =	simm.s32 $0x3900;
	[dreg:$0x4] =	wrdreg s20  }
0x1f: {  	s21 =	smul.u32 $0x300, s8;
	s7 =	simm.s32 $0x4100;
	[dreg:$0xe] =	wrdreg s6  }
0x20: {  	s8 =	simm.s32 $0x4900;
	s5 =	sadd.s32 s3, s5;
	[dreg:$0xf] =	wrdreg s7  }
0x21: {  	[dreg:$0x10] =	wrdreg s8;
	s20 =	simm.s32 $0xA100;
	s6 =	ssub.s32 s4, s19  }
0x22: {  	s4 =	sadd.s32 $0x121900, s0;
	s7 =	simm.s32 $0x3;
	[dreg:$0x5] =	wrdreg s5  }
0x23: {  	s8 =	simm.s32 $0x100;
	s3 =	sadd.s32 s3, s21;
	[dreg:$0x1b] =	wrdreg s20  }
0x24: {  	s19 =	simm.s32 $0x12900;
	s5 =	simm.s32 $0x3100;
	[dreg:$0x6] =	wrdreg s3  }
0x25: {  	v2 =	vlaneseq.u32;
	s21 =	simm.s32 $0xA900;
	s6 =	smax.u32 s6, $0x1;
	[dreg:$0xd] =	wrdreg s5  }
0x26: {  	vm0 =	vmmov $0xffff;
	v1 =	vshrl.u32 v2, $0x3;
	s20 =	simm.s32 $0x13100;
	s3 =	sadd.s32 $0x121800, s0;
	[dreg:$0x1c] =	wrdreg s21  }
0x27: {  	v0 =	vand.u32 $0x7, v2;
	v2 =	vor.u32 $0x8, v2;
	v1 =	vmul.u32 $0x8, v1;
	s5 =	sadd.s32 $0x121A00, s0;
	s21 =	simm.s32 $0x13900;
	s0 =	simm.s32 $0x2  }
.LBB2_1:
0x28: {  	s1 =	rddreg [dreg:$0x3]  }
0x29: {  	[tilespmem:s2], [sflag:$0x3] =	stream.linear.gather [hbm4b:s1+s2], $0x40, $0x38;
	[tilespmem:$0x18100] =	vst v63  }
0x2a: {  	_ =	swait.ge [sflag:s7], $0x40  }
0x2b: {  	s1 =	rddreg [dreg:$0x4];
	[sflag:s7] =	ssyncset.done $0x0  }
0x2c: {  	s10 =	rddreg [dreg:$0x7];
	[sflag:s7] =	ssyncadd.s32 $0xFFFFFFC0  }
0x2d: {  	[tilespmem:s10], [sflag:$0x3] =	stream.linear.gather [hbm4b:s1+s2], $0x40, $0x38;
	[tilespmem:$0x18100] =	vst v63  }
0x2e: {  	_ =	swait.ge [sflag:s7], $0x40  }
0x2f: {  	[sflag:s7] =	ssyncset.done $0x0  }
0x30: {  	[sflag:s7] =	ssyncadd.s32 $0xFFFFFFC0  }
0x31: {  	v3 =	vld [tilespmem:$0x0];
	_ =	sdelay $0x4  }
0x32: {  	v4 =	vshrl.u32 v3, $0x3  }
0x33: {  	v4 =	vmul.u32 $0x30, v4  }
0x34: {  	v3 =	vand.u32 $0x7, v3  }
0x35: {  	v3 =	vor.u32 v3, v4  }
0x36: {  	v4 =	vperm.xlane v3, v0;
	_ =	sdelay $0x1  }
0x37: {  	v4 =	vadd.s32 v1, v4;
	_ =	sdelay $0x3  }
0x38: {  	v3 =	vperm.xlane v3, v2  }
0x39: {  	[tilespmem:s8], [sflag:$0x1] =	stream.indirect_vreg.gather [hbm4b:s3+s2], $0x80, v4, vm0, $0xb8;
	[tilespmem:$0x18100] =	vst v63  }
0x3a: {  	s1 =	rddreg [dreg:$0x8];
	v3 =	vadd.s32 v1, v3  }
0x3b: {  	[tilespmem:s1], [sflag:$0x1] =	stream.indirect_vreg.gather [hbm4b:s4+s2], $0x80, v4, vm0, $0xb8;
	[tilespmem:$0x18100] =	vst v63  }
0x3c: {  	s10 =	rddreg [dreg:$0x9]  }
0x3d: {  	[tilespmem:s10], [sflag:$0x1] =	stream.indirect_vreg.gather [hbm4b:s5+s2], $0x80, v4, vm0, $0xb8;
	[tilespmem:$0x18100] =	vst v63  }
0x3e: {  	s1 =	rddreg [dreg:$0xa]  }
0x3f: {  	[tilespmem:s1], [sflag:$0x1] =	stream.indirect_vreg.gather [hbm4b:s3+s2], $0x80, v3, vm0, $0xb8;
	[tilespmem:$0x18100] =	vst v63  }
0x40: {  	s10 =	rddreg [dreg:$0xb]  }
0x41: {  	[tilespmem:s10], [sflag:$0x1] =	stream.indirect_vreg.gather [hbm4b:s4+s2], $0x80, v3, vm0, $0xb8;
	[tilespmem:$0x18100] =	vst v63  }
0x42: {  	s1 =	rddreg [dreg:$0xc]  }
0x43: {  	[tilespmem:s1], [sflag:$0x1] =	stream.indirect_vreg.gather [hbm4b:s5+s2], $0x80, v3, vm0, $0xb8;
	[tilespmem:$0x18100] =	vst v63  }
0x44: {  	v3 =	vld [tilespmem:$0x10];
	_ =	sdelay $0x4  }
0x45: {  	v57 =	vshrl.u32 v3, $0x3  }
0x46: {  	v4 =	vmul.u32 $0x30, v57  }
0x47: {  	v3 =	vand.u32 $0x7, v3  }
0x48: {  	v3 =	vor.u32 v3, v4  }
0x49: {  	v4 =	vperm.xlane v3, v0;
	_ =	sdelay $0x1  }
0x4a: {  	v4 =	vadd.s32 v1, v4;
	_ =	sdelay $0x3  }
0x4b: {  	s1 =	rddreg [dreg:$0xd];
	v3 =	vperm.xlane v3, v2  }
0x4c: {  	[tilespmem:s1], [sflag:$0x1] =	stream.indirect_vreg.gather [hbm4b:s3+s2], $0x80, v4, vm0, $0xb8;
	[tilespmem:$0x18100] =	vst v63  }
0x4d: {  	s10 =	rddreg [dreg:$0xe];
	v3 =	vadd.s32 v1, v3  }
0x4e: {  	[tilespmem:s10], [sflag:$0x1] =	stream.indirect_vreg.gather [hbm4b:s4+s2], $0x80, v4, vm0, $0xb8;
	[tilespmem:$0x18100] =	vst v63  }
0x4f: {  	s1 =	rddreg [dreg:$0xf]  }
0x50: {  	[tilespmem:s1], [sflag:$0x1] =	stream.indirect_vreg.gather [hbm4b:s5+s2], $0x80, v4, vm0, $0xb8;
	[tilespmem:$0x18100] =	vst v63  }
0x51: {  	s10 =	rddreg [dreg:$0x10]  }
0x52: {  	[tilespmem:s10], [sflag:$0x1] =	stream.indirect_vreg.gather [hbm4b:s3+s2], $0x80, v3, vm0, $0xb8;
	[tilespmem:$0x18100] =	vst v63  }
0x53: {  	s1 =	rddreg [dreg:$0x11]  }
0x54: {  	[tilespmem:s1], [sflag:$0x1] =	stream.indirect_vreg.gather [hbm4b:s4+s2], $0x80, v3, vm0, $0xb8;
	[tilespmem:$0x18100] =	vst v63  }
0x55: {  	s10 =	rddreg [dreg:$0x12]  }
0x56: {  	[tilespmem:s10], [sflag:$0x1] =	stream.indirect_vreg.gather [hbm4b:s5+s2], $0x80, v3, vm0, $0xb8;
	[tilespmem:$0x18100] =	vst v63  }
0x57: {  	v3 =	vld [tilespmem:$0x20];
	_ =	sdelay $0x4  }
0x58: {  	v58 =	vshrl.u32 v3, $0x3  }
0x59: {  	v4 =	vmul.u32 $0x30, v58  }
0x5a: {  	v3 =	vand.u32 $0x7, v3  }
0x5b: {  	v3 =	vor.u32 v3, v4  }
0x5c: {  	v4 =	vperm.xlane v3, v0;
	_ =	sdelay $0x1  }
0x5d: {  	v4 =	vadd.s32 v1, v4;
	_ =	sdelay $0x3  }
0x5e: {  	s1 =	rddreg [dreg:$0x13];
	v3 =	vperm.xlane v3, v2  }
0x5f: {  	[tilespmem:s1], [sflag:$0x1] =	stream.indirect_vreg.gather [hbm4b:s3+s2], $0x80, v4, vm0, $0xb8;
	[tilespmem:$0x18100] =	vst v63  }
0x60: {  	s10 =	rddreg [dreg:$0x14];
	v3 =	vadd.s32 v1, v3  }
0x61: {  	[tilespmem:s10], [sflag:$0x1] =	stream.indirect_vreg.gather [hbm4b:s4+s2], $0x80, v4, vm0, $0xb8;
	[tilespmem:$0x18100] =	vst v63  }
0x62: {  	s1 =	rddreg [dreg:$0x15]  }
0x63: {  	[tilespmem:s1], [sflag:$0x1] =	stream.indirect_vreg.gather [hbm4b:s5+s2], $0x80, v4, vm0, $0xb8;
	[tilespmem:$0x18100] =	vst v63  }
0x64: {  	s10 =	rddreg [dreg:$0x16]  }
0x65: {  	[tilespmem:s10], [sflag:$0x1] =	stream.indirect_vreg.gather [hbm4b:s3+s2], $0x80, v3, vm0, $0xb8;
	[tilespmem:$0x18100] =	vst v63  }
0x66: {  	s1 =	rddreg [dreg:$0x17]  }
0x67: {  	[tilespmem:s1], [sflag:$0x1] =	stream.indirect_vreg.gather [hbm4b:s4+s2], $0x80, v3, vm0, $0xb8;
	[tilespmem:$0x18100] =	vst v63  }
0x68: {  	s10 =	rddreg [dreg:$0x18]  }
0x69: {  	[tilespmem:s10], [sflag:$0x1] =	stream.indirect_vreg.gather [hbm4b:s5+s2], $0x80, v3, vm0, $0xb8;
	[tilespmem:$0x18100] =	vst v63  }
0x6a: {  	v3 =	vld [tilespmem:$0x30];
	_ =	sdelay $0x4  }
0x6b: {  	v59 =	vshrl.u32 v3, $0x3  }
0x6c: {  	v4 =	vmul.u32 $0x30, v59  }
0x6d: {  	v3 =	vand.u32 $0x7, v3  }
0x6e: {  	v3 =	vor.u32 v3, v4  }
0x6f: {  	v4 =	vperm.xlane v3, v0;
	_ =	sdelay $0x1  }
0x70: {  	v4 =	vadd.s32 v1, v4;
	_ =	sdelay $0x3  }
0x71: {  	s1 =	rddreg [dreg:$0x19];
	v3 =	vperm.xlane v3, v2  }
0x72: {  	[tilespmem:s1], [sflag:$0x1] =	stream.indirect_vreg.gather [hbm4b:s3+s2], $0x80, v4, vm0, $0xb8;
	[tilespmem:$0x18100] =	vst v63  }
0x73: {  	s10 =	rddreg [dreg:$0x1a];
	v3 =	vadd.s32 v1, v3  }
0x74: {  	[tilespmem:s10], [sflag:$0x1] =	stream.indirect_vreg.gather [hbm4b:s4+s2], $0x80, v4, vm0, $0xb8;
	[tilespmem:$0x18100] =	vst v63  }
0x75: {  	s1 =	rddreg [dreg:$0x1b]  }
0x76: {  	[tilespmem:s1], [sflag:$0x1] =	stream.indirect_vreg.gather [hbm4b:s5+s2], $0x80, v4, vm0, $0xb8;
	[tilespmem:$0x18100] =	vst v63  }
0x77: {  	s10 =	rddreg [dreg:$0x1c]  }
0x78: {  	[tilespmem:s10], [sflag:$0x1] =	stream.indirect_vreg.gather [hbm4b:s3+s2], $0x80, v3, vm0, $0xb8;
	[tilespmem:$0x18100] =	vst v63  }
0x79: {  	s1 =	rddreg [dreg:$0x1d]  }
0x7a: {  	[tilespmem:s1], [sflag:$0x1] =	stream.indirect_vreg.gather [hbm4b:s4+s2], $0x80, v3, vm0, $0xb8;
	[tilespmem:$0x18100] =	vst v63  }
0x7b: {  	s10 =	rddreg [dreg:$0x1e]  }
0x7c: {  	[tilespmem:s10], [sflag:$0x1] =	stream.indirect_vreg.gather [hbm4b:s5+s2], $0x80, v3, vm0, $0xb8;
	[tilespmem:$0x18100] =	vst v63  }
0x7d: {  	v3 =	vld [tilespmem:$0x80];
	_ =	sdelay $0x4  }
0x7e: {  	v60 =	vshrl.u32 v3, $0x3  }
0x7f: {  	v4 =	vmul.u32 $0x30, v60  }
0x80: {  	v3 =	vand.u32 $0x7, v3  }
0x81: {  	v3 =	vor.u32 v3, v4  }
0x82: {  	v4 =	vperm.xlane v3, v0;
	_ =	sdelay $0x1  }
0x83: {  	v4 =	vadd.s32 v1, v4;
	_ =	sdelay $0x3  }
0x84: {  	s1 =	rddreg [dreg:$0x1f];
	v3 =	vperm.xlane v3, v2  }
0x85: {  	[tilespmem:s9], [sflag:$0x2] =	stream.indirect_vreg.gather [hbm4b:s3+s2], $0x80, v4, vm0, $0xb8;
	[tilespmem:$0x18100] =	vst v63  }
0x86: {  	s10 =	sld [smem:$0x7FC];
	v3 =	vadd.s32 v1, v3  }
0x87: {  	[tilespmem:s1], [sflag:$0x2] =	stream.indirect_vreg.gather [hbm4b:s4+s2], $0x80, v4, vm0, $0xb8;
	[tilespmem:$0x18100] =	vst v63  }
0x88: {  	s1 =	sld [smem:$0x7FD]  }
0x89: {  	[tilespmem:s10], [sflag:$0x2] =	stream.indirect_vreg.gather [hbm4b:s5+s2], $0x80, v4, vm0, $0xb8;
	[tilespmem:$0x18100] =	vst v63  }
0x8a: {  	_ = 	snop  }
0x8b: {  	[tilespmem:s1], [sflag:$0x2] =	stream.indirect_vreg.gather [hbm4b:s3+s2], $0x80, v3, vm0, $0xb8;
	[tilespmem:$0x18100] =	vst v63  }
0x8c: {  	s10 =	simm.s32 $0xE100  }
0x8d: {  	[tilespmem:s10], [sflag:$0x2] =	stream.indirect_vreg.gather [hbm4b:s4+s2], $0x80, v3, vm0, $0xb8;
	[tilespmem:$0x18100] =	vst v63  }
0x8e: {  	_ = 	snop  }
0x8f: {  	[tilespmem:s11], [sflag:$0x2] =	stream.indirect_vreg.gather [hbm4b:s5+s2], $0x80, v3, vm0, $0xb8;
	[tilespmem:$0x18100] =	vst v63  }
0x90: {  	v3 =	vld [tilespmem:$0x90];
	_ =	sdelay $0x4  }
0x91: {  	v61 =	vshrl.u32 v3, $0x3  }
0x92: {  	v4 =	vmul.u32 $0x30, v61  }
0x93: {  	v3 =	vand.u32 $0x7, v3  }
0x94: {  	v3 =	vor.u32 v3, v4  }
0x95: {  	v4 =	vperm.xlane v3, v0;
	_ =	sdelay $0x1  }
0x96: {  	v4 =	vadd.s32 v1, v4;
	_ =	sdelay $0x3  }
0x97: {  	v3 =	vperm.xlane v3, v2  }
0x98: {  	[tilespmem:s12], [sflag:$0x2] =	stream.indirect_vreg.gather [hbm4b:s3+s2], $0x80, v4, vm0, $0xb8;
	[tilespmem:$0x18100] =	vst v63  }
0x99: {  	v3 =	vadd.s32 v1, v3  }
0x9a: {  	[tilespmem:s13], [sflag:$0x2] =	stream.indirect_vreg.gather [hbm4b:s4+s2], $0x80, v4, vm0, $0xb8;
	[tilespmem:$0x18100] =	vst v63  }
0x9b: {  	_ = 	snop  }
0x9c: {  	[tilespmem:s14], [sflag:$0x2] =	stream.indirect_vreg.gather [hbm4b:s5+s2], $0x80, v4, vm0, $0xb8;
	[tilespmem:$0x18100] =	vst v63  }
0x9d: {  	_ = 	snop  }
0x9e: {  	[tilespmem:s15], [sflag:$0x2] =	stream.indirect_vreg.gather [hbm4b:s3+s2], $0x80, v3, vm0, $0xb8;
	[tilespmem:$0x18100] =	vst v63  }
0x9f: {  	_ = 	snop  }
0xa0: {  	[tilespmem:s16], [sflag:$0x2] =	stream.indirect_vreg.gather [hbm4b:s4+s2], $0x80, v3, vm0, $0xb8;
	[tilespmem:$0x18100] =	vst v63  }
0xa1: {  	_ = 	snop  }
0xa2: {  	[tilespmem:s17], [sflag:$0x2] =	stream.indirect_vreg.gather [hbm4b:s5+s2], $0x80, v3, vm0, $0xb8;
	[tilespmem:$0x18100] =	vst v63  }
0xa3: {  	v3 =	vld [tilespmem:$0xA0];
	_ =	sdelay $0x4  }
0xa4: {  	v62 =	vshrl.u32 v3, $0x3  }
0xa5: {  	v4 =	vmul.u32 $0x30, v62  }
0xa6: {  	v3 =	vand.u32 $0x7, v3  }
0xa7: {  	v3 =	vor.u32 v3, v4  }
0xa8: {  	v4 =	vperm.xlane v3, v0;
	_ =	sdelay $0x1  }
0xa9: {  	v4 =	vadd.s32 v1, v4;
	_ =	sdelay $0x3  }
0xaa: {  	v3 =	vperm.xlane v3, v2  }
0xab: {  	[tilespmem:s18], [sflag:$0x2] =	stream.indirect_vreg.gather [hbm4b:s3+s2], $0x80, v4, vm0, $0xb8;
	[tilespmem:$0x18100] =	vst v63  }
0xac: {  	v3 =	vadd.s32 v1, v3  }
0xad: {  	[tilespmem:s19], [sflag:$0x2] =	stream.indirect_vreg.gather [hbm4b:s4+s2], $0x80, v4, vm0, $0xb8;
	[tilespmem:$0x18100] =	vst v63  }
0xae: {  	_ = 	snop  }
0xaf: {  	[tilespmem:s20], [sflag:$0x2] =	stream.indirect_vreg.gather [hbm4b:s5+s2], $0x80, v4, vm0, $0xb8;
	[tilespmem:$0x18100] =	vst v63  }
0xb0: {  	_ = 	snop  }
0xb1: {  	[tilespmem:s21], [sflag:$0x2] =	stream.indirect_vreg.gather [hbm4b:s3+s2], $0x80, v3, vm0, $0xb8;
	[tilespmem:$0x18100] =	vst v63  }
0xb2: {  	_ = 	snop  }
0xb3: {  	[tilespmem:s22], [sflag:$0x2] =	stream.indirect_vreg.gather [hbm4b:s4+s2], $0x80, v3, vm0, $0xb8;
	[tilespmem:$0x18100] =	vst v63  }
0xb4: {  	_ = 	snop  }
0xb5: {  	[tilespmem:s23], [sflag:$0x2] =	stream.indirect_vreg.gather [hbm4b:s5+s2], $0x80, v3, vm0, $0xb8;
	[tilespmem:$0x18100] =	vst v63  }
0xb6: {  	v3 =	vld [tilespmem:$0xB0];
	_ =	sdelay $0x4  }
0xb7: {  	v63 =	vshrl.u32 v3, $0x3  }
0xb8: {  	v4 =	vmul.u32 $0x30, v63  }
0xb9: {  	v3 =	vand.u32 $0x7, v3  }
0xba: {  	v3 =	vor.u32 v3, v4  }
0xbb: {  	v4 =	vperm.xlane v3, v0;
	_ =	sdelay $0x1  }
0xbc: {  	v4 =	vadd.s32 v1, v4;
	_ =	sdelay $0x3  }
0xbd: {  	v3 =	vperm.xlane v3, v2  }
0xbe: {  	[tilespmem:s24], [sflag:$0x2] =	stream.indirect_vreg.gather [hbm4b:s3+s2], $0x80, v4, vm0, $0xb8;
	[tilespmem:$0x18100] =	vst v63  }
0xbf: {  	v3 =	vadd.s32 v1, v3  }
0xc0: {  	[tilespmem:s25], [sflag:$0x2] =	stream.indirect_vreg.gather [hbm4b:s4+s2], $0x80, v4, vm0, $0xb8;
	[tilespmem:$0x18100] =	vst v63  }
0xc1: {  	_ = 	snop  }
0xc2: {  	[tilespmem:s26], [sflag:$0x2] =	stream.indirect_vreg.gather [hbm4b:s5+s2], $0x80, v4, vm0, $0xb8;
	[tilespmem:$0x18100] =	vst v63  }
0xc3: {  	_ = 	snop  }
0xc4: {  	[tilespmem:s28], [sflag:$0x2] =	stream.indirect_vreg.gather [hbm4b:s3+s2], $0x80, v3, vm0, $0xb8;
	[tilespmem:$0x18100] =	vst v63  }
0xc5: {  	_ = 	snop  }
0xc6: {  	[tilespmem:s29], [sflag:$0x2] =	stream.indirect_vreg.gather [hbm4b:s4+s2], $0x80, v3, vm0, $0xb8;
	[tilespmem:$0x18100] =	vst v63  }
0xc7: {  	_ = 	snop  }
0xc8: {  	[tilespmem:s30], [sflag:$0x2] =	stream.indirect_vreg.gather [hbm4b:s5+s2], $0x80, v3, vm0, $0xb8;
	[tilespmem:$0x18100] =	vst v63  }
0xc9: {  	_ =	swait.ge [sflag:s31], $0xC000  }
0xca: {  	[sflag:s31] =	ssyncset.done $0x0  }
0xcb: {  	s10 =	rddreg [dreg:$0x5];
	[sflag:s31] =	ssyncadd.s32 $0xFFFF4000  }
0xcc: {  	[hbm4b:s10+s2] =	stream.linear.scatter [tilespmem:s8], [sflag:$0x3], $0xC000, $0x38;
	[tilespmem:$0x18100] =	vst v63  }
0xcd: {  	_ =	swait.ge [sflag:s7], $0xC000  }
0xce: {  	[sflag:s7] =	ssyncset.done $0x0  }
0xcf: {  	[sflag:s7] =	ssyncadd.s32 $0xFFFF4000  }
0xd0: {  	_ =	swait.ge [sflag:s0], $0xC000  }
0xd1: {  	p0 =	sne.s32 s6, $0x1;
	[sflag:s0] =	ssyncset.done $0x0  }
.Ltmp0:
0xd2: {  	s10 =	rddreg [dreg:$0x6];
	[sflag:s0] =	ssyncadd.s32 $0xFFFF4000;
	(pc) =	sbr.rel @p0 .LBB2_1-.Ltmp0, $4  }
0xd3: {  	[hbm4b:s10+s2] =	stream.linear.scatter [tilespmem:s9], [sflag:$0x3], $0xC000, $0x38;
	[tilespmem:$0x18100] =	vst v63  }
0xd4: {  	_ =	swait.ge [sflag:s7], $0xC000  }
0xd5: {  	[sflag:s7] =	ssyncset.done $0x0  }
0xd6: {  	s6 =	sadd.s32 $0xFFFFFFFF, s6;
	[sflag:s7] =	ssyncadd.s32 $0xFFFF4000  }
0xd7: {  	_ =	sfence.sel $0x180000  }
0xd8: {  	[bflag:$0x0] =	sbarrier.arrive $0xFFFF  }
0xd9: {  	_ =	strace $0x9000004A  }
0xda: {  	s0 =	stileid.u32;
	[bflag:$0x2] =	sbarrier.arrive $0xFFFF  }
0xdb: {  	p0 =	sne.s32 s0, $0x0;
	s0 =	rddreg [dreg:$0x2]  }
0xdc: {  	s0 =	sadd.s32 @!p0 $0x100000, s0  }
0xdd: {  	[sflag:s0] =	ssyncadd.tile.s32 @!p0 $0x1;
	_ =	shalt  }
.Lfunc_end2:
_tile_overlayer_lowered:
.L_overlay_start_2:
0xde: {  	(tag) =	ssettag $0x2  }
0xdf: {  	s0 =	rddreg [dreg:$0x0];
	s2 =	stileid.u32  }
0xe0: {  	s1 =	rddreg [dreg:$0x1];
	p0 =	sne.s32 s2, $0x0  }
0xe1: {  	s3 =	rddreg [dreg:$0x2];
	[bflag:$0x3] =	sbarrier.arrive $0xFFFF;
	s2 =	simm.s32 @!p0 $0x1C03  }
0xe2: {  	[timem:s3], [sflag:s2] =	dma.local @!p0 [hbm:s0], s1  }
0xe3: {  	s0 =	simm.s32 @!p0 $0x3  }
0xe4: {  	_ =	swait.ge @!p0 [sflag:s0], s1  }
0xe5: {  	s1 =	ssub.s32 @!p0 $0x0, s1;
	[sflag:s0] =	ssyncset.done @!p0 $0x0  }
0xe6: {  	[sflag:s0] =	ssyncadd.s32 @!p0 s1  }
0xe7: {  	[bflag:$0x3] =	sbarrier.arrive $0xFFFF  }
0xe8: {  	_ =	shalt  }

</sc_bundles>
